<compile_context>
chip_gen: v7x
topology: tpu7x:2x2x1
jax: 0.10.2.dev20260603
libtpu: 0.0.44.dev20260713+nightly
codegen_flags: <defaults>
</compile_context>

<pallas_src>
import functools

import jax
import jax.numpy as jnp
from jax import lax
from jax.experimental import pallas as pl
from jax.experimental.pallas import tpu as pltpu
from jax.experimental.pallas import tpu_sc as plsc

NC = 2
NS = 16
CHUNK = 128

_MESH = dict(core_axis_name="c", subcore_axis_name="s", num_cores=NC,
             num_subcores=NS)



def _make_layer_kernel(n, e, dh, edge_split, const_rows=False):
    nchunks = e // CHUNK
    rpt = n // NS
    nw = NC * NS if (edge_split or const_rows) else NS
    per, rem = nchunks // nw, nchunks % nw

    scratch = [
        pltpu.VMEM((CHUNK,), jnp.int32),
        pltpu.VMEM((CHUNK,), jnp.int32),
        pltpu.VMEM((CHUNK,), jnp.int32),
        pltpu.VMEM((CHUNK, dh), jnp.float32),
        pltpu.VMEM_SHARED((n, dh), jnp.float32),
        pltpu.SemaphoreType.DMA,
    ]

    @functools.partial(
        pl.kernel,
        out_type=jax.ShapeDtypeStruct((NC, n, dh), jnp.float32),
        mesh=plsc.VectorSubcoreMesh(**_MESH),
        scratch_types=scratch,
    )
    def layer_kernel(g_hbm, src_hbm, dst_hbm, zeros_hbm, out_hbm, srcb,
                     srca, dstb, rows, acc, sem):
        c = lax.axis_index("c")
        s = lax.axis_index("s")
        if edge_split or const_rows:
            w = c * NS + s
        else:
            w = s

        if const_rows:
            pltpu.sync_copy(g_hbm, rows)
            pltpu.sync_copy(zeros_hbm.at[pl.ds(s * rpt, rpt)],
                            acc.at[pl.ds(s * rpt, rpt)])
        elif edge_split:
            @pl.when(c == 0)
            def _():
                pltpu.sync_copy(g_hbm.at[pl.ds(s * rpt, rpt)],
                                acc.at[pl.ds(s * rpt, rpt)])

            @pl.when(c != 0)
            def _():
                pltpu.sync_copy(zeros_hbm.at[pl.ds(s * rpt, rpt)],
                                acc.at[pl.ds(s * rpt, rpt)])
        else:
            pltpu.sync_copy(g_hbm.at[pl.ds(c * n + s * rpt, rpt)],
                            acc.at[pl.ds(s * rpt, rpt)])
        plsc.subcore_barrier()
        nloc = per + (w < rem).astype(jnp.int32)

        def body(t, carry):
            off = pl.multiple_of((w + nw * t) * CHUNK, CHUNK)
            pltpu.sync_copy(dst_hbm.at[pl.ds(off, CHUNK)], dstb)
            if const_rows:
                pass
            elif edge_split:
                pltpu.sync_copy(src_hbm.at[pl.ds(off, CHUNK)], srcb)
                pltpu.async_copy(g_hbm.at[srcb], rows, sem).wait()
            else:
                pltpu.sync_copy(src_hbm.at[pl.ds(off, CHUNK)], srcb)
                base = c * n
                for j in range(CHUNK // 16):
                    sl = pl.ds(j * 16, 16)
                    srca[sl] = srcb[sl] + base
                pltpu.async_copy(g_hbm.at[srca], rows, sem).wait()
            pltpu.sync_copy(rows, acc.at[dstb], add=True)
            return carry

        lax.fori_loop(0, nloc, body, 0)

        plsc.subcore_barrier()
        pltpu.sync_copy(acc.at[pl.ds(s * rpt, rpt)],
                        out_hbm.at[c, pl.ds(s * rpt, rpt)])

    return layer_kernel



def _dis_from_hist(hist_blk):
    deg = 1.0 + hist_blk[0, :, 0:1] + hist_blk[1, :, 0:1]
    return lax.rsqrt(deg)


def _tc1_body(x_ref, w_ref, hist_ref, o_ref):
    dis = _dis_from_hist(hist_ref[...])
    o_ref[...] = dis * jnp.dot(x_ref[...], w_ref[...],
                               preferred_element_type=jnp.float32)


def _tc_mid_body(acc_ref, b_ref, w_ref, hist_ref, o_ref):
    dis = _dis_from_hist(hist_ref[...])
    a = jnp.concatenate([acc_ref[0], acc_ref[1]], axis=1)
    h = jax.nn.relu(dis * a + b_ref[...])
    o_ref[...] = dis * jnp.dot(h, w_ref[...],
                               preferred_element_type=jnp.float32)


def _tc_head_body(acc_ref, b_ref, wr_ref, br_ref, hist_ref, h_ref, r_ref):
    dis = _dis_from_hist(hist_ref[...])
    a = acc_ref[0] + acc_ref[1]
    h = jax.nn.relu(dis * a + b_ref[...])
    h_ref[...] = h
    r_ref[...] = jnp.dot(h, wr_ref[...],
                         preferred_element_type=jnp.float32) + br_ref[...]



def kernel(x, edge_index, W1, b1, W2, b2, W3, b3, Wr, br):
    n, d_in = x.shape
    e = edge_index.shape[1]
    dh = W1.shape[1]
    dhh = dh // 2
    dout = W3.shape[1]

    src = edge_index[0]
    dst = edge_index[1]
    npad = 10240
    zeros_nh = jnp.zeros((npad, dout), jnp.float32)
    ones_ch = jnp.ones((CHUNK, dout), jnp.float32)

    hist = _make_layer_kernel(npad, e, dout, True, const_rows=True)(
        ones_ch, src, dst, zeros_nh)

    bm = 1024
    nb = npad // bm
    hist_spec = pl.BlockSpec((NC, bm, dout), lambda h, i: (0, i, 0))

    g1 = pl.pallas_call(
        _tc1_body,
        grid=(2, nb),
        in_specs=[
            pl.BlockSpec((bm, d_in), lambda h, i: (i, 0)),
            pl.BlockSpec((d_in, dhh), lambda h, i: (0, h)),
            hist_spec,
        ],
        out_specs=pl.BlockSpec((bm, dhh), lambda h, i: (h * nb + i, 0)),
        out_shape=jax.ShapeDtypeStruct((2 * npad, dhh), jnp.float32),
    )(x, W1, hist)

    acc1 = _make_layer_kernel(npad, e, dhh, False)(g1, src, dst, zeros_nh)

    g2 = pl.pallas_call(
        _tc_mid_body,
        grid=(2, nb),
        in_specs=[
            pl.BlockSpec((NC, bm, dhh), lambda h, i: (0, i, 0)),
            pl.BlockSpec((1, dh), lambda h, i: (0, 0)),
            pl.BlockSpec((dh, dhh), lambda h, i: (0, h)),
            hist_spec,
        ],
        out_specs=pl.BlockSpec((bm, dhh), lambda h, i: (h * nb + i, 0)),
        out_shape=jax.ShapeDtypeStruct((2 * npad, dhh), jnp.float32),
    )(acc1, b1.reshape(1, dh), W2, hist)
    acc2 = _make_layer_kernel(npad, e, dhh, False)(g2, src, dst, zeros_nh)

    g3 = pl.pallas_call(
        _tc_mid_body,
        grid=(nb,),
        in_specs=[
            pl.BlockSpec((NC, bm, dhh), lambda i: (0, i, 0)),
            pl.BlockSpec((1, dh), lambda i: (0, 0)),
            pl.BlockSpec((dh, dout), lambda i: (0, 0)),
            pl.BlockSpec((NC, bm, dout), lambda i: (0, i, 0)),
        ],
        out_specs=pl.BlockSpec((bm, dout), lambda i: (i, 0)),
        out_shape=jax.ShapeDtypeStruct((npad, dout), jnp.float32),
    )(acc2, b2.reshape(1, dh), W3, hist)
    acc3 = _make_layer_kernel(npad, e, dout, True)(g3, src, dst, zeros_nh)

    h3, recon = pl.pallas_call(
        _tc_head_body,
        grid=(nb,),
        in_specs=[
            pl.BlockSpec((NC, bm, dout), lambda i: (0, i, 0)),
            pl.BlockSpec((1, dout), lambda i: (0, 0)),
            pl.BlockSpec((dout, d_in), lambda i: (0, 0)),
            pl.BlockSpec((1, d_in), lambda i: (0, 0)),
            pl.BlockSpec((NC, bm, dout), lambda i: (0, i, 0)),
        ],
        out_specs=[
            pl.BlockSpec((bm, dout), lambda i: (i, 0)),
            pl.BlockSpec((bm, d_in), lambda i: (i, 0)),
        ],
        out_shape=[
            jax.ShapeDtypeStruct((n, dout), jnp.float32),
            jax.ShapeDtypeStruct((n, d_in), jnp.float32),
        ],
    )(acc3, b3.reshape(1, dout), Wr, br.reshape(1, d_in), hist)

    return (h3, recon)

# --- scband reference (transcript-rebuilt; emitter-appended) ---
"""Pipeline reference for scband-gnnanomaly-detector-5626407157992 (READ-ONLY COPY).

The authoritative reference and input builder live on the scoring server;
editing this copy changes nothing except your own understanding.
"""

import jax, jax.numpy as jnp
import numpy as np

N = 10000
E = 320000
D_IN = 128
D_H = 256
D_OUT = 128


def setup_inputs(seed: int = 0) -> dict:
    key = jax.random.key(seed)
    ks = jax.random.split(key, 12)
    x = jax.random.normal(ks[0], (N, D_IN), dtype=jnp.float32)
    edge_index = jax.random.randint(ks[1], (2, E), 0, N)
    W1 = jax.random.normal(ks[2], (D_IN, D_H), dtype=jnp.float32) * 0.05
    b1 = jnp.zeros((D_H,), dtype=jnp.float32)
    W2 = jax.random.normal(ks[3], (D_H, D_H), dtype=jnp.float32) * 0.05
    b2 = jnp.zeros((D_H,), dtype=jnp.float32)
    W3 = jax.random.normal(ks[4], (D_H, D_OUT), dtype=jnp.float32) * 0.05
    b3 = jnp.zeros((D_OUT,), dtype=jnp.float32)
    Wr = jax.random.normal(ks[5], (D_OUT, D_IN), dtype=jnp.float32) * 0.05
    br = jnp.zeros((D_IN,), dtype=jnp.float32)
    return {"x": x, "edge_index": edge_index, "W1": W1, "b1": b1,
            "W2": W2, "b2": b2, "W3": W3, "b3": b3, "Wr": Wr, "br": br}


def _gcn_conv(x, W, b, src, dst, num_nodes):
    # PyG GCNConv: x' = D^{-1/2} (A + I) D^{-1/2} X W + b, self-loops already in src/dst
    h = x @ W
    ones = jnp.ones(src.shape[0], dtype=jnp.float32)
    deg = jnp.zeros((num_nodes,), dtype=jnp.float32).at[dst].add(ones)
    deg_inv_sqrt = jnp.where(deg > 0, 1.0 / jnp.sqrt(deg), 0.0)
    norm = deg_inv_sqrt[src] * deg_inv_sqrt[dst]
    msg = h[src] * norm[:, None]
    out = jnp.zeros((num_nodes, h.shape[1]), dtype=jnp.float32).at[dst].add(msg)
    return out + b


def reference(x, edge_index, W1, b1, W2, b2, W3, b3, Wr, br):
    num_nodes = x.shape[0]
    loops = jnp.arange(num_nodes, dtype=edge_index.dtype)
    src = jnp.concatenate([edge_index[0], loops])
    dst = jnp.concatenate([edge_index[1], loops])
    h = jax.nn.relu(_gcn_conv(x, W1, b1, src, dst, num_nodes))
    # dropout p=0.5 is identity in eval mode
    h = jax.nn.relu(_gcn_conv(h, W2, b2, src, dst, num_nodes))
    h = jax.nn.relu(_gcn_conv(h, W3, b3, src, dst, num_nodes))
    reconstructed = h @ Wr + br
    return (h, reconstructed)

if __name__ == "__main__":
    import jax
    _d = setup_inputs()
    print(jax.jit(kernel)(*tuple(_d.values())))

</pallas_src>

<mosaic_0001>
#map = affine_map<(d0, d1) -> (0, 0)>
#map1 = affine_map<(d0, d1) -> (0)>
#map2 = affine_map<(d0, d1) -> (0, 0, 0)>
module attributes {stable_mosaic.version = 14 : i64} {
  func.func @layer_kernel(%arg0: i32, %arg1: i32, %arg2: memref<10240x128xf32, #tpu.memory_space<hbm>>, %arg3: memref<320000xi32, #tpu.memory_space<hbm>>, %arg4: memref<320000xi32, #tpu.memory_space<hbm>>, %arg5: memref<10240x128xf32, #tpu.memory_space<hbm>>, %arg6: memref<2x10240x128xf32, #tpu.memory_space<hbm>>, %arg7: memref<128xi32, #tpu.memory_space<vmem>>, %arg8: memref<128xi32, #tpu.memory_space<vmem>>, %arg9: memref<128xi32, #tpu.memory_space<vmem>>, %arg10: memref<128x128xf32, #tpu.memory_space<vmem>>, %arg11: memref<10240x128xf32, #tpu.memory_space<vmem_shared>>, %arg12: memref<!tpu.dma_semaphore, #tpu.memory_space<semaphore_mem>>) attributes {dimension_semantics = [#tpu.dimension_semantics<core_parallel>, #tpu.dimension_semantics<subcore_parallel>], iteration_bounds = array<i64: 2, 16>, scalar_prefetch = 0 : i64, scratch_operands = 6 : i64, tpu.core_type = #tpu.core_type<sc_vector_subcore>, window_params = [{transform_indices = #map}, {transform_indices = #map1}, {transform_indices = #map1}, {transform_indices = #map}, {transform_indices = #map2}]} {
    %mul3A = arith.constant 16 : i32
    %mul3A_0 = arith.muli %arg0, %mul3A : i32
    %add3A = arith.addi %mul3A_0, %arg1 : i32
    %eq3A = arith.constant 0 : i32
    %eq3A_1 = arith.cmpi eq, %arg0, %eq3A : i32
    %convert_element_type3A = arith.extui %eq3A_1 : i1 to i32
    %cond3A = arith.constant 0 : i32
    %cond3A_2 = arith.cmpi ne, %convert_element_type3A, %cond3A : i32
    scf.if %cond3A_2 {
      %mul3A_25 = arith.constant 640 : i32
      %mul3A_26 = arith.muli %arg1, %mul3A_25 : i32
      %mul3A_27 = arith.constant 640 : i32
      %mul3A_28 = arith.muli %arg1, %mul3A_27 : i32
      "tpu.region"() ({
        %run_scoped3A = tpu.sem_alloc : memref<!tpu.dma_semaphore, #tpu.memory_space<semaphore_mem>>
        %dma_start3A = arith.constant 0 : i32
        %dma_start3A_29 = tpu.memref_slice %arg11[%mul3A_28, %dma_start3A] : memref<10240x128xf32, #tpu.memory_space<vmem_shared>> -> memref<640x128xf32, #tpu.memory_space<vmem_shared>>
        %dma_start3A_30 = arith.constant 0 : i32
        %dma_start3A_31 = tpu.memref_slice %arg2[%mul3A_26, %dma_start3A_30] : memref<10240x128xf32, #tpu.memory_space<hbm>> -> memref<640x128xf32, #tpu.memory_space<hbm>>
        tpu.enqueue_dma source(%dma_start3A_31 : memref<640x128xf32, #tpu.memory_space<hbm>>) target(%dma_start3A_29 : memref<640x128xf32, #tpu.memory_space<vmem_shared>>) target_semaphore(%run_scoped3A : memref<!tpu.dma_semaphore, #tpu.memory_space<semaphore_mem>>)
        %dma_wait3A = arith.constant 0 : i32
        %dma_wait3A_32 = tpu.memref_slice %arg11[%mul3A_28, %dma_wait3A] : memref<10240x128xf32, #tpu.memory_space<vmem_shared>> -> memref<640x128xf32, #tpu.memory_space<vmem_shared>>
        %dma_wait3A_33 = arith.constant 0 : i32
        %dma_wait3A_34 = tpu.memref_slice %arg2[%mul3A_26, %dma_wait3A_33] : memref<10240x128xf32, #tpu.memory_space<hbm>> -> memref<640x128xf32, #tpu.memory_space<hbm>>
        tpu.wait_dma2 semaphore(%run_scoped3A : memref<!tpu.dma_semaphore, #tpu.memory_space<semaphore_mem>>) src(%dma_wait3A_34 : memref<640x128xf32, #tpu.memory_space<hbm>>) dst(%dma_wait3A_32 : memref<640x128xf32, #tpu.memory_space<vmem_shared>>)
        tpu.yield
      }) : () -> ()
    } else {
    }
    %ne3A = arith.constant 0 : i32
    %ne3A_3 = arith.cmpi ne, %arg0, %ne3A : i32
    %convert_element_type3A_4 = arith.extui %ne3A_3 : i1 to i32
    %cond3A_5 = arith.constant 0 : i32
    %cond3A_6 = arith.cmpi ne, %convert_element_type3A_4, %cond3A_5 : i32
    scf.if %cond3A_6 {
      %mul3A_25 = arith.constant 640 : i32
      %mul3A_26 = arith.muli %arg1, %mul3A_25 : i32
      %mul3A_27 = arith.constant 640 : i32
      %mul3A_28 = arith.muli %arg1, %mul3A_27 : i32
      "tpu.region"() ({
        %run_scoped3A = tpu.sem_alloc : memref<!tpu.dma_semaphore, #tpu.memory_space<semaphore_mem>>
        %dma_start3A = arith.constant 0 : i32
        %dma_start3A_29 = tpu.memref_slice %arg11[%mul3A_28, %dma_start3A] : memref<10240x128xf32, #tpu.memory_space<vmem_shared>> -> memref<640x128xf32, #tpu.memory_space<vmem_shared>>
        %dma_start3A_30 = arith.constant 0 : i32
        %dma_start3A_31 = tpu.memref_slice %arg5[%mul3A_26, %dma_start3A_30] : memref<10240x128xf32, #tpu.memory_space<hbm>> -> memref<640x128xf32, #tpu.memory_space<hbm>>
        tpu.enqueue_dma source(%dma_start3A_31 : memref<640x128xf32, #tpu.memory_space<hbm>>) target(%dma_start3A_29 : memref<640x128xf32, #tpu.memory_space<vmem_shared>>) target_semaphore(%run_scoped3A : memref<!tpu.dma_semaphore, #tpu.memory_space<semaphore_mem>>)
        %dma_wait3A = arith.constant 0 : i32
        %dma_wait3A_32 = tpu.memref_slice %arg11[%mul3A_28, %dma_wait3A] : memref<10240x128xf32, #tpu.memory_space<vmem_shared>> -> memref<640x128xf32, #tpu.memory_space<vmem_shared>>
        %dma_wait3A_33 = arith.constant 0 : i32
        %dma_wait3A_34 = tpu.memref_slice %arg5[%mul3A_26, %dma_wait3A_33] : memref<10240x128xf32, #tpu.memory_space<hbm>> -> memref<640x128xf32, #tpu.memory_space<hbm>>
        tpu.wait_dma2 semaphore(%run_scoped3A : memref<!tpu.dma_semaphore, #tpu.memory_space<semaphore_mem>>) src(%dma_wait3A_34 : memref<640x128xf32, #tpu.memory_space<hbm>>) dst(%dma_wait3A_32 : memref<640x128xf32, #tpu.memory_space<vmem_shared>>)
        tpu.yield
      }) : () -> ()
    } else {
    }
    %barrier3A = arith.constant 0 : index
    tpu.barrier barrier_id(%barrier3A)
    %lt3A = arith.constant 4 : i32
    %lt3A_7 = arith.cmpi slt, %add3A, %lt3A : i32
    %convert_element_type3A_8 = arith.extui %lt3A_7 : i1 to i32
    %add3A_9 = arith.constant 78 : i32
    %add3A_10 = arith.addi %add3A_9, %convert_element_type3A_8 : i32
    %while3A = arith.constant 0 : i32
    %while3A_11 = arith.constant 0 : i32
    %while3A_12 = arith.subi %add3A_10, %while3A_11 : i32
    %while3A_13 = arith.addi %while3A_11, %while3A_12 : i32
    %while3A_14 = arith.constant 1 : i32
    %while3A_15 = arith.divsi %while3A_12, %while3A_14 : i32
    %while3A_16 = arith.muli %while3A_15, %while3A_14 : i32
    %while3A_17 = arith.addi %while3A_11, %while3A_16 : i32
    %while3A_18 = arith.constant 1 : i32
    scf.for %while3A_25 = %while3A_11 to %while3A_17 step %while3A_18  : i32 {
      %mul3A_26 = arith.constant 32 : i32
      %mul3A_27 = arith.muli %mul3A_26, %while3A_25 : i32
      %add3A_28 = arith.addi %add3A, %mul3A_27 : i32
      %mul3A_29 = arith.constant 128 : i32
      %mul3A_30 = arith.muli %add3A_28, %mul3A_29 : i32
      %multiple_of3A = tpu.assume_multiple %mul3A_30, 128 : i32
      "tpu.region"() ({
        %run_scoped3A = tpu.sem_alloc : memref<!tpu.dma_semaphore, #tpu.memory_space<semaphore_mem>>
        %dma_start3A_35 = tpu.memref_slice %arg4[%multiple_of3A] : memref<320000xi32, #tpu.memory_space<hbm>> -> memref<128xi32, #tpu.memory_space<hbm>>
        %dma_start3A_36 = tpu.memref_slice %arg4[%multiple_of3A] : memref<320000xi32, #tpu.memory_space<hbm>> -> memref<128xi32, #tpu.memory_space<hbm>>
        tpu.enqueue_dma source(%dma_start3A_36 : memref<128xi32, #tpu.memory_space<hbm>>) target(%arg9 : memref<128xi32, #tpu.memory_space<vmem>>) target_semaphore(%run_scoped3A : memref<!tpu.dma_semaphore, #tpu.memory_space<semaphore_mem>>)
        %dma_wait3A_37 = tpu.memref_slice %arg4[%multiple_of3A] : memref<320000xi32, #tpu.memory_space<hbm>> -> memref<128xi32, #tpu.memory_space<hbm>>
        %dma_wait3A_38 = tpu.memref_slice %arg4[%multiple_of3A] : memref<320000xi32, #tpu.memory_space<hbm>> -> memref<128xi32, #tpu.memory_space<hbm>>
        tpu.wait_dma2 semaphore(%run_scoped3A : memref<!tpu.dma_semaphore, #tpu.memory_space<semaphore_mem>>) src(%dma_wait3A_38 : memref<128xi32, #tpu.memory_space<hbm>>) dst(%arg9 : memref<128xi32, #tpu.memory_space<vmem>>)
        tpu.yield
      }) : () -> ()
      "tpu.region"() ({
        %run_scoped3A = tpu.sem_alloc : memref<!tpu.dma_semaphore, #tpu.memory_space<semaphore_mem>>
        %dma_start3A_35 = tpu.memref_slice %arg3[%multiple_of3A] : memref<320000xi32, #tpu.memory_space<hbm>> -> memref<128xi32, #tpu.memory_space<hbm>>
        %dma_start3A_36 = tpu.memref_slice %arg3[%multiple_of3A] : memref<320000xi32, #tpu.memory_space<hbm>> -> memref<128xi32, #tpu.memory_space<hbm>>
        tpu.enqueue_dma source(%dma_start3A_36 : memref<128xi32, #tpu.memory_space<hbm>>) target(%arg7 : memref<128xi32, #tpu.memory_space<vmem>>) target_semaphore(%run_scoped3A : memref<!tpu.dma_semaphore, #tpu.memory_space<semaphore_mem>>)
        %dma_wait3A_37 = tpu.memref_slice %arg3[%multiple_of3A] : memref<320000xi32, #tpu.memory_space<hbm>> -> memref<128xi32, #tpu.memory_space<hbm>>
        %dma_wait3A_38 = tpu.memref_slice %arg3[%multiple_of3A] : memref<320000xi32, #tpu.memory_space<hbm>> -> memref<128xi32, #tpu.memory_space<hbm>>
        tpu.wait_dma2 semaphore(%run_scoped3A : memref<!tpu.dma_semaphore, #tpu.memory_space<semaphore_mem>>) src(%dma_wait3A_38 : memref<128xi32, #tpu.memory_space<hbm>>) dst(%arg7 : memref<128xi32, #tpu.memory_space<vmem>>)
        tpu.yield
      }) : () -> ()
      %dma_start3A = arith.constant 0 : i32
      %dma_start3A_31 = arith.constant 0 : i32
      %dma_start3A_32 = tpu.memref_slice %arg2[%dma_start3A, %dma_start3A_31] : memref<10240x128xf32, #tpu.memory_space<hbm>> -> memref<10240x128xf32, #tpu.memory_space<hbm>>
      tpu.enqueue_indirect_dma source(%dma_start3A_32 : memref<10240x128xf32, #tpu.memory_space<hbm>>) target(%arg10 : memref<128x128xf32, #tpu.memory_space<vmem>>) offsets(%arg7 : memref<128xi32, #tpu.memory_space<vmem>>) semaphore(%arg12 : memref<!tpu.dma_semaphore, #tpu.memory_space<semaphore_mem>>)
      %dma_wait3A = arith.constant 0 : i32
      %dma_wait3A_33 = arith.constant 0 : i32
      %dma_wait3A_34 = tpu.memref_slice %arg2[%dma_wait3A, %dma_wait3A_33] : memref<10240x128xf32, #tpu.memory_space<hbm>> -> memref<10240x128xf32, #tpu.memory_space<hbm>>
      tpu.wait_indirect_dma semaphore(%arg12 : memref<!tpu.dma_semaphore, #tpu.memory_space<semaphore_mem>>) src(%dma_wait3A_34 : memref<10240x128xf32, #tpu.memory_space<hbm>>) dst(%arg10 : memref<128x128xf32, #tpu.memory_space<vmem>>)
      "tpu.region"() ({
        %run_scoped3A = tpu.sem_alloc : memref<!tpu.dma_semaphore, #tpu.memory_space<semaphore_mem>>
        %dma_start3A_35 = arith.constant 0 : i32
        %dma_start3A_36 = arith.constant 0 : i32
        %dma_start3A_37 = tpu.memref_slice %arg11[%dma_start3A_35, %dma_start3A_36] : memref<10240x128xf32, #tpu.memory_space<vmem_shared>> -> memref<10240x128xf32, #tpu.memory_space<vmem_shared>>
        tpu.enqueue_indirect_dma source(%arg10 : memref<128x128xf32, #tpu.memory_space<vmem>>) target(%dma_start3A_37 : memref<10240x128xf32, #tpu.memory_space<vmem_shared>>) offsets(%arg9 : memref<128xi32, #tpu.memory_space<vmem>>) semaphore(%run_scoped3A : memref<!tpu.dma_semaphore, #tpu.memory_space<semaphore_mem>>) {add = true}
        %dma_wait3A_38 = arith.constant 0 : i32
        %dma_wait3A_39 = arith.constant 0 : i32
        %dma_wait3A_40 = tpu.memref_slice %arg11[%dma_wait3A_38, %dma_wait3A_39] : memref<10240x128xf32, #tpu.memory_space<vmem_shared>> -> memref<10240x128xf32, #tpu.memory_space<vmem_shared>>
        tpu.wait_indirect_dma semaphore(%run_scoped3A : memref<!tpu.dma_semaphore, #tpu.memory_space<semaphore_mem>>) src(%arg10 : memref<128x128xf32, #tpu.memory_space<vmem>>) dst(%dma_wait3A_40 : memref<10240x128xf32, #tpu.memory_space<vmem_shared>>)
        tpu.yield
      }) : () -> ()
    }
    %while3A_19 = arith.constant 1 : i32
    scf.for %while3A_25 = %while3A_17 to %while3A_13 step %while3A_19  : i32 {
      %mul3A_26 = arith.constant 32 : i32
      %mul3A_27 = arith.muli %mul3A_26, %while3A_25 : i32
      %add3A_28 = arith.addi %add3A, %mul3A_27 : i32
      %mul3A_29 = arith.constant 128 : i32
      %mul3A_30 = arith.muli %add3A_28, %mul3A_29 : i32
      %multiple_of3A = tpu.assume_multiple %mul3A_30, 128 : i32
      "tpu.region"() ({
        %run_scoped3A = tpu.sem_alloc : memref<!tpu.dma_semaphore, #tpu.memory_space<semaphore_mem>>
        %dma_start3A_35 = tpu.memref_slice %arg4[%multiple_of3A] : memref<320000xi32, #tpu.memory_space<hbm>> -> memref<128xi32, #tpu.memory_space<hbm>>
        %dma_start3A_36 = tpu.memref_slice %arg4[%multiple_of3A] : memref<320000xi32, #tpu.memory_space<hbm>> -> memref<128xi32, #tpu.memory_space<hbm>>
        tpu.enqueue_dma source(%dma_start3A_36 : memref<128xi32, #tpu.memory_space<hbm>>) target(%arg9 : memref<128xi32, #tpu.memory_space<vmem>>) target_semaphore(%run_scoped3A : memref<!tpu.dma_semaphore, #tpu.memory_space<semaphore_mem>>)
        %dma_wait3A_37 = tpu.memref_slice %arg4[%multiple_of3A] : memref<320000xi32, #tpu.memory_space<hbm>> -> memref<128xi32, #tpu.memory_space<hbm>>
        %dma_wait3A_38 = tpu.memref_slice %arg4[%multiple_of3A] : memref<320000xi32, #tpu.memory_space<hbm>> -> memref<128xi32, #tpu.memory_space<hbm>>
        tpu.wait_dma2 semaphore(%run_scoped3A : memref<!tpu.dma_semaphore, #tpu.memory_space<semaphore_mem>>) src(%dma_wait3A_38 : memref<128xi32, #tpu.memory_space<hbm>>) dst(%arg9 : memref<128xi32, #tpu.memory_space<vmem>>)
        tpu.yield
      }) : () -> ()
      "tpu.region"() ({
        %run_scoped3A = tpu.sem_alloc : memref<!tpu.dma_semaphore, #tpu.memory_space<semaphore_mem>>
        %dma_start3A_35 = tpu.memref_slice %arg3[%multiple_of3A] : memref<320000xi32, #tpu.memory_space<hbm>> -> memref<128xi32, #tpu.memory_space<hbm>>
        %dma_start3A_36 = tpu.memref_slice %arg3[%multiple_of3A] : memref<320000xi32, #tpu.memory_space<hbm>> -> memref<128xi32, #tpu.memory_space<hbm>>
        tpu.enqueue_dma source(%dma_start3A_36 : memref<128xi32, #tpu.memory_space<hbm>>) target(%arg7 : memref<128xi32, #tpu.memory_space<vmem>>) target_semaphore(%run_scoped3A : memref<!tpu.dma_semaphore, #tpu.memory_space<semaphore_mem>>)
        %dma_wait3A_37 = tpu.memref_slice %arg3[%multiple_of3A] : memref<320000xi32, #tpu.memory_space<hbm>> -> memref<128xi32, #tpu.memory_space<hbm>>
        %dma_wait3A_38 = tpu.memref_slice %arg3[%multiple_of3A] : memref<320000xi32, #tpu.memory_space<hbm>> -> memref<128xi32, #tpu.memory_space<hbm>>
        tpu.wait_dma2 semaphore(%run_scoped3A : memref<!tpu.dma_semaphore, #tpu.memory_space<semaphore_mem>>) src(%dma_wait3A_38 : memref<128xi32, #tpu.memory_space<hbm>>) dst(%arg7 : memref<128xi32, #tpu.memory_space<vmem>>)
        tpu.yield
      }) : () -> ()
      %dma_start3A = arith.constant 0 : i32
      %dma_start3A_31 = arith.constant 0 : i32
      %dma_start3A_32 = tpu.memref_slice %arg2[%dma_start3A, %dma_start3A_31] : memref<10240x128xf32, #tpu.memory_space<hbm>> -> memref<10240x128xf32, #tpu.memory_space<hbm>>
      tpu.enqueue_indirect_dma source(%dma_start3A_32 : memref<10240x128xf32, #tpu.memory_space<hbm>>) target(%arg10 : memref<128x128xf32, #tpu.memory_space<vmem>>) offsets(%arg7 : memref<128xi32, #tpu.memory_space<vmem>>) semaphore(%arg12 : memref<!tpu.dma_semaphore, #tpu.memory_space<semaphore_mem>>)
      %dma_wait3A = arith.constant 0 : i32
      %dma_wait3A_33 = arith.constant 0 : i32
      %dma_wait3A_34 = tpu.memref_slice %arg2[%dma_wait3A, %dma_wait3A_33] : memref<10240x128xf32, #tpu.memory_space<hbm>> -> memref<10240x128xf32, #tpu.memory_space<hbm>>
      tpu.wait_indirect_dma semaphore(%arg12 : memref<!tpu.dma_semaphore, #tpu.memory_space<semaphore_mem>>) src(%dma_wait3A_34 : memref<10240x128xf32, #tpu.memory_space<hbm>>) dst(%arg10 : memref<128x128xf32, #tpu.memory_space<vmem>>)
      "tpu.region"() ({
        %run_scoped3A = tpu.sem_alloc : memref<!tpu.dma_semaphore, #tpu.memory_space<semaphore_mem>>
        %dma_start3A_35 = arith.constant 0 : i32
        %dma_start3A_36 = arith.constant 0 : i32
        %dma_start3A_37 = tpu.memref_slice %arg11[%dma_start3A_35, %dma_start3A_36] : memref<10240x128xf32, #tpu.memory_space<vmem_shared>> -> memref<10240x128xf32, #tpu.memory_space<vmem_shared>>
        tpu.enqueue_indirect_dma source(%arg10 : memref<128x128xf32, #tpu.memory_space<vmem>>) target(%dma_start3A_37 : memref<10240x128xf32, #tpu.memory_space<vmem_shared>>) offsets(%arg9 : memref<128xi32, #tpu.memory_space<vmem>>) semaphore(%run_scoped3A : memref<!tpu.dma_semaphore, #tpu.memory_space<semaphore_mem>>) {add = true}
        %dma_wait3A_38 = arith.constant 0 : i32
        %dma_wait3A_39 = arith.constant 0 : i32
        %dma_wait3A_40 = tpu.memref_slice %arg11[%dma_wait3A_38, %dma_wait3A_39] : memref<10240x128xf32, #tpu.memory_space<vmem_shared>> -> memref<10240x128xf32, #tpu.memory_space<vmem_shared>>
        tpu.wait_indirect_dma semaphore(%run_scoped3A : memref<!tpu.dma_semaphore, #tpu.memory_space<semaphore_mem>>) src(%arg10 : memref<128x128xf32, #tpu.memory_space<vmem>>) dst(%dma_wait3A_40 : memref<10240x128xf32, #tpu.memory_space<vmem_shared>>)
        tpu.yield
      }) : () -> ()
    }
    %barrier3A_20 = arith.constant 0 : index
    tpu.barrier barrier_id(%barrier3A_20)
    %mul3A_21 = arith.constant 640 : i32
    %mul3A_22 = arith.muli %arg1, %mul3A_21 : i32
    %mul3A_23 = arith.constant 640 : i32
    %mul3A_24 = arith.muli %arg1, %mul3A_23 : i32
    "tpu.region"() ({
      %run_scoped3A = tpu.sem_alloc : memref<!tpu.dma_semaphore, #tpu.memory_space<semaphore_mem>>
      %dma_start3A = arith.constant 0 : i32
      %dma_start3A_25 = tpu.memref_slice %arg6[%arg0, %mul3A_24, %dma_start3A] : memref<2x10240x128xf32, #tpu.memory_space<hbm>> -> memref<1x640x128xf32, #tpu.memory_space<hbm>>
      %dma_start3A_26 = tpu.memref_squeeze %dma_start3A_25 : memref<1x640x128xf32, #tpu.memory_space<hbm>> -> memref<640x128xf32, #tpu.memory_space<hbm>>
      %dma_start3A_27 = arith.constant 0 : i32
      %dma_start3A_28 = tpu.memref_slice %arg11[%mul3A_22, %dma_start3A_27] : memref<10240x128xf32, #tpu.memory_space<vmem_shared>> -> memref<640x128xf32, #tpu.memory_space<vmem_shared>>
      tpu.enqueue_dma source(%dma_start3A_28 : memref<640x128xf32, #tpu.memory_space<vmem_shared>>) target(%dma_start3A_26 : memref<640x128xf32, #tpu.memory_space<hbm>>) target_semaphore(%run_scoped3A : memref<!tpu.dma_semaphore, #tpu.memory_space<semaphore_mem>>)
      %dma_wait3A = arith.constant 0 : i32
      %dma_wait3A_29 = tpu.memref_slice %arg6[%arg0, %mul3A_24, %dma_wait3A] : memref<2x10240x128xf32, #tpu.memory_space<hbm>> -> memref<1x640x128xf32, #tpu.memory_space<hbm>>
      %dma_wait3A_30 = tpu.memref_squeeze %dma_wait3A_29 : memref<1x640x128xf32, #tpu.memory_space<hbm>> -> memref<640x128xf32, #tpu.memory_space<hbm>>
      %dma_wait3A_31 = arith.constant 0 : i32
      %dma_wait3A_32 = tpu.memref_slice %arg11[%mul3A_22, %dma_wait3A_31] : memref<10240x128xf32, #tpu.memory_space<vmem_shared>> -> memref<640x128xf32, #tpu.memory_space<vmem_shared>>
      tpu.wait_dma2 semaphore(%run_scoped3A : memref<!tpu.dma_semaphore, #tpu.memory_space<semaphore_mem>>) src(%dma_wait3A_32 : memref<640x128xf32, #tpu.memory_space<vmem_shared>>) dst(%dma_wait3A_30 : memref<640x128xf32, #tpu.memory_space<hbm>>)
      tpu.yield
    }) : () -> ()
    return
  }
}

#map = affine_map<(d0, d1) -> (0, 0)>
#map1 = affine_map<(d0, d1) -> (0)>
#map2 = affine_map<(d0, d1) -> (0, 0, 0)>
module attributes {stable_mosaic.version = 14 : i64} {
  func.func @layer_kernel(%arg0: i32, %arg1: i32, %arg2: memref<20480x128xf32, #tpu.memory_space<hbm>>, %arg3: memref<320000xi32, #tpu.memory_space<hbm>>, %arg4: memref<320000xi32, #tpu.memory_space<hbm>>, %arg5: memref<10240x128xf32, #tpu.memory_space<hbm>>, %arg6: memref<2x10240x128xf32, #tpu.memory_space<hbm>>, %arg7: memref<128xi32, #tpu.memory_space<vmem>>, %arg8: memref<128xi32, #tpu.memory_space<vmem>>, %arg9: memref<128xi32, #tpu.memory_space<vmem>>, %arg10: memref<128x128xf32, #tpu.memory_space<vmem>>, %arg11: memref<10240x128xf32, #tpu.memory_space<vmem_shared>>, %arg12: memref<!tpu.dma_semaphore, #tpu.memory_space<semaphore_mem>>) attributes {dimension_semantics = [#tpu.dimension_semantics<core_parallel>, #tpu.dimension_semantics<subcore_parallel>], iteration_bounds = array<i64: 2, 16>, scalar_prefetch = 0 : i64, scratch_operands = 6 : i64, tpu.core_type = #tpu.core_type<sc_vector_subcore>, window_params = [{transform_indices = #map}, {transform_indices = #map1}, {transform_indices = #map1}, {transform_indices = #map}, {transform_indices = #map2}]} {
    %mul3A = arith.constant 10240 : i32
    %mul3A_0 = arith.muli %arg0, %mul3A : i32
    %mul3A_1 = arith.constant 640 : i32
    %mul3A_2 = arith.muli %arg1, %mul3A_1 : i32
    %add3A = arith.addi %mul3A_0, %mul3A_2 : i32
    %mul3A_3 = arith.constant 640 : i32
    %mul3A_4 = arith.muli %arg1, %mul3A_3 : i32
    "tpu.region"() ({
      %run_scoped3A = tpu.sem_alloc : memref<!tpu.dma_semaphore, #tpu.memory_space<semaphore_mem>>
      %dma_start3A = arith.constant 0 : i32
      %dma_start3A_22 = tpu.memref_slice %arg11[%mul3A_4, %dma_start3A] : memref<10240x128xf32, #tpu.memory_space<vmem_shared>> -> memref<640x128xf32, #tpu.memory_space<vmem_shared>>
      %dma_start3A_23 = arith.constant 0 : i32
      %dma_start3A_24 = tpu.memref_slice %arg2[%add3A, %dma_start3A_23] : memref<20480x128xf32, #tpu.memory_space<hbm>> -> memref<640x128xf32, #tpu.memory_space<hbm>>
      tpu.enqueue_dma source(%dma_start3A_24 : memref<640x128xf32, #tpu.memory_space<hbm>>) target(%dma_start3A_22 : memref<640x128xf32, #tpu.memory_space<vmem_shared>>) target_semaphore(%run_scoped3A : memref<!tpu.dma_semaphore, #tpu.memory_space<semaphore_mem>>)
      %dma_wait3A = arith.constant 0 : i32
      %dma_wait3A_25 = tpu.memref_slice %arg11[%mul3A_4, %dma_wait3A] : memref<10240x128xf32, #tpu.memory_space<vmem_shared>> -> memref<640x128xf32, #tpu.memory_space<vmem_shared>>
      %dma_wait3A_26 = arith.constant 0 : i32
      %dma_wait3A_27 = tpu.memref_slice %arg2[%add3A, %dma_wait3A_26] : memref<20480x128xf32, #tpu.memory_space<hbm>> -> memref<640x128xf32, #tpu.memory_space<hbm>>
      tpu.wait_dma2 semaphore(%run_scoped3A : memref<!tpu.dma_semaphore, #tpu.memory_space<semaphore_mem>>) src(%dma_wait3A_27 : memref<640x128xf32, #tpu.memory_space<hbm>>) dst(%dma_wait3A_25 : memref<640x128xf32, #tpu.memory_space<vmem_shared>>)
      tpu.yield
    }) : () -> ()
    %barrier3A = arith.constant 0 : index
    tpu.barrier barrier_id(%barrier3A)
    %lt3A = arith.constant 4 : i32
    %lt3A_5 = arith.cmpi slt, %arg1, %lt3A : i32
    %convert_element_type3A = arith.extui %lt3A_5 : i1 to i32
    %add3A_6 = arith.constant 156 : i32
    %add3A_7 = arith.addi %add3A_6, %convert_element_type3A : i32
    %while3A = arith.constant 0 : i32
    %while3A_8 = arith.constant 0 : i32
    %while3A_9 = arith.subi %add3A_7, %while3A_8 : i32
    %while3A_10 = arith.addi %while3A_8, %while3A_9 : i32
    %while3A_11 = arith.constant 1 : i32
    %while3A_12 = arith.divsi %while3A_9, %while3A_11 : i32
    %while3A_13 = arith.muli %while3A_12, %while3A_11 : i32
    %while3A_14 = arith.addi %while3A_8, %while3A_13 : i32
    %while3A_15 = arith.constant 1 : i32
    scf.for %while3A_22 = %while3A_8 to %while3A_14 step %while3A_15  : i32 {
      %mul3A_23 = arith.constant 16 : i32
      %mul3A_24 = arith.muli %mul3A_23, %while3A_22 : i32
      %add3A_25 = arith.addi %arg1, %mul3A_24 : i32
      %mul3A_26 = arith.constant 128 : i32
      %mul3A_27 = arith.muli %add3A_25, %mul3A_26 : i32
      %multiple_of3A = tpu.assume_multiple %mul3A_27, 128 : i32
      "tpu.region"() ({
        %run_scoped3A = tpu.sem_alloc : memref<!tpu.dma_semaphore, #tpu.memory_space<semaphore_mem>>
        %dma_start3A_104 = tpu.memref_slice %arg4[%multiple_of3A] : memref<320000xi32, #tpu.memory_space<hbm>> -> memref<128xi32, #tpu.memory_space<hbm>>
        %dma_start3A_105 = tpu.memref_slice %arg4[%multiple_of3A] : memref<320000xi32, #tpu.memory_space<hbm>> -> memref<128xi32, #tpu.memory_space<hbm>>
        tpu.enqueue_dma source(%dma_start3A_105 : memref<128xi32, #tpu.memory_space<hbm>>) target(%arg9 : memref<128xi32, #tpu.memory_space<vmem>>) target_semaphore(%run_scoped3A : memref<!tpu.dma_semaphore, #tpu.memory_space<semaphore_mem>>)
        %dma_wait3A_106 = tpu.memref_slice %arg4[%multiple_of3A] : memref<320000xi32, #tpu.memory_space<hbm>> -> memref<128xi32, #tpu.memory_space<hbm>>
        %dma_wait3A_107 = tpu.memref_slice %arg4[%multiple_of3A] : memref<320000xi32, #tpu.memory_space<hbm>> -> memref<128xi32, #tpu.memory_space<hbm>>
        tpu.wait_dma2 semaphore(%run_scoped3A : memref<!tpu.dma_semaphore, #tpu.memory_space<semaphore_mem>>) src(%dma_wait3A_107 : memref<128xi32, #tpu.memory_space<hbm>>) dst(%arg9 : memref<128xi32, #tpu.memory_space<vmem>>)
        tpu.yield
      }) : () -> ()
      "tpu.region"() ({
        %run_scoped3A = tpu.sem_alloc : memref<!tpu.dma_semaphore, #tpu.memory_space<semaphore_mem>>
        %dma_start3A_104 = tpu.memref_slice %arg3[%multiple_of3A] : memref<320000xi32, #tpu.memory_space<hbm>> -> memref<128xi32, #tpu.memory_space<hbm>>
        %dma_start3A_105 = tpu.memref_slice %arg3[%multiple_of3A] : memref<320000xi32, #tpu.memory_space<hbm>> -> memref<128xi32, #tpu.memory_space<hbm>>
        tpu.enqueue_dma source(%dma_start3A_105 : memref<128xi32, #tpu.memory_space<hbm>>) target(%arg7 : memref<128xi32, #tpu.memory_space<vmem>>) target_semaphore(%run_scoped3A : memref<!tpu.dma_semaphore, #tpu.memory_space<semaphore_mem>>)
        %dma_wait3A_106 = tpu.memref_slice %arg3[%multiple_of3A] : memref<320000xi32, #tpu.memory_space<hbm>> -> memref<128xi32, #tpu.memory_space<hbm>>
        %dma_wait3A_107 = tpu.memref_slice %arg3[%multiple_of3A] : memref<320000xi32, #tpu.memory_space<hbm>> -> memref<128xi32, #tpu.memory_space<hbm>>
        tpu.wait_dma2 semaphore(%run_scoped3A : memref<!tpu.dma_semaphore, #tpu.memory_space<semaphore_mem>>) src(%dma_wait3A_107 : memref<128xi32, #tpu.memory_space<hbm>>) dst(%arg7 : memref<128xi32, #tpu.memory_space<vmem>>)
        tpu.yield
      }) : () -> ()
      %mul3A_28 = arith.constant 10240 : i32
      %mul3A_29 = arith.muli %arg0, %mul3A_28 : i32
      %get3A = arith.constant 0 : index
      %get3A_30 = tpu.vector_load %arg7[%get3A] {strides = array<i32>} : memref<128xi32, #tpu.memory_space<vmem>>, vector<16xi32>,
      %get3A_31 = vector.shape_cast %get3A_30 : vector<16xi32> to vector<16xi32>
      %add3A_32 = vector.broadcast %mul3A_29 : i32 to vector<16xi32>
      %add3A_33 = arith.addi %get3A_31, %add3A_32 : vector<16xi32>
      %swap3A = arith.constant 0 : index
      %swap3A_34 = tpu.vector_load %arg8[%swap3A] {strides = array<i32>} : memref<128xi32, #tpu.memory_space<vmem>>, vector<16xi32>,
      %swap3A_35 = vector.shape_cast %swap3A_34 : vector<16xi32> to vector<16xi32>
      %swap3A_36 = vector.shape_cast %add3A_33 : vector<16xi32> to vector<16xi32>
      tpu.vector_store %arg8[%swap3A], %swap3A_36 {strides = array<i32>} : memref<128xi32, #tpu.memory_space<vmem>>, vector<16xi32>,
      %get3A_37 = arith.constant 16 : index
      %get3A_38 = tpu.vector_load %arg7[%get3A_37] {strides = array<i32>} : memref<128xi32, #tpu.memory_space<vmem>>, vector<16xi32>,
      %get3A_39 = vector.shape_cast %get3A_38 : vector<16xi32> to vector<16xi32>
      %add3A_40 = vector.broadcast %mul3A_29 : i32 to vector<16xi32>
      %add3A_41 = arith.addi %get3A_39, %add3A_40 : vector<16xi32>
      %swap3A_42 = arith.constant 16 : index
      %swap3A_43 = tpu.vector_load %arg8[%swap3A_42] {strides = array<i32>} : memref<128xi32, #tpu.memory_space<vmem>>, vector<16xi32>,
      %swap3A_44 = vector.shape_cast %swap3A_43 : vector<16xi32> to vector<16xi32>
      %swap3A_45 = vector.shape_cast %add3A_41 : vector<16xi32> to vector<16xi32>
      tpu.vector_store %arg8[%swap3A_42], %swap3A_45 {strides = array<i32>} : memref<128xi32, #tpu.memory_space<vmem>>, vector<16xi32>,
      %get3A_46 = arith.constant 32 : index
      %get3A_47 = tpu.vector_load %arg7[%get3A_46] {strides = array<i32>} : memref<128xi32, #tpu.memory_space<vmem>>, vector<16xi32>,
      %get3A_48 = vector.shape_cast %get3A_47 : vector<16xi32> to vector<16xi32>
      %add3A_49 = vector.broadcast %mul3A_29 : i32 to vector<16xi32>
      %add3A_50 = arith.addi %get3A_48, %add3A_49 : vector<16xi32>
      %swap3A_51 = arith.constant 32 : index
      %swap3A_52 = tpu.vector_load %arg8[%swap3A_51] {strides = array<i32>} : memref<128xi32, #tpu.memory_space<vmem>>, vector<16xi32>,
      %swap3A_53 = vector.shape_cast %swap3A_52 : vector<16xi32> to vector<16xi32>
      %swap3A_54 = vector.shape_cast %add3A_50 : vector<16xi32> to vector<16xi32>
      tpu.vector_store %arg8[%swap3A_51], %swap3A_54 {strides = array<i32>} : memref<128xi32, #tpu.memory_space<vmem>>, vector<16xi32>,
      %get3A_55 = arith.constant 48 : index
      %get3A_56 = tpu.vector_load %arg7[%get3A_55] {strides = array<i32>} : memref<128xi32, #tpu.memory_space<vmem>>, vector<16xi32>,
      %get3A_57 = vector.shape_cast %get3A_56 : vector<16xi32> to vector<16xi32>
      %add3A_58 = vector.broadcast %mul3A_29 : i32 to vector<16xi32>
      %add3A_59 = arith.addi %get3A_57, %add3A_58 : vector<16xi32>
      %swap3A_60 = arith.constant 48 : index
      %swap3A_61 = tpu.vector_load %arg8[%swap3A_60] {strides = array<i32>} : memref<128xi32, #tpu.memory_space<vmem>>, vector<16xi32>,
      %swap3A_62 = vector.shape_cast %swap3A_61 : vector<16xi32> to vector<16xi32>
      %swap3A_63 = vector.shape_cast %add3A_59 : vector<16xi32> to vector<16xi32>
      tpu.vector_store %arg8[%swap3A_60], %swap3A_63 {strides = array<i32>} : memref<128xi32, #tpu.memory_space<vmem>>, vector<16xi32>,
      %get3A_64 = arith.constant 64 : index
      %get3A_65 = tpu.vector_load %arg7[%get3A_64] {strides = array<i32>} : memref<128xi32, #tpu.memory_space<vmem>>, vector<16xi32>,
      %get3A_66 = vector.shape_cast %get3A_65 : vector<16xi32> to vector<16xi32>
      %add3A_67 = vector.broadcast %mul3A_29 : i32 to vector<16xi32>
      %add3A_68 = arith.addi %get3A_66, %add3A_67 : vector<16xi32>
      %swap3A_69 = arith.constant 64 : index
      %swap3A_70 = tpu.vector_load %arg8[%swap3A_69] {strides = array<i32>} : memref<128xi32, #tpu.memory_space<vmem>>, vector<16xi32>,
      %swap3A_71 = vector.shape_cast %swap3A_70 : vector<16xi32> to vector<16xi32>
      %swap3A_72 = vector.shape_cast %add3A_68 : vector<16xi32> to vector<16xi32>
      tpu.vector_store %arg8[%swap3A_69], %swap3A_72 {strides = array<i32>} : memref<128xi32, #tpu.memory_space<vmem>>, vector<16xi32>,
      %get3A_73 = arith.constant 80 : index
      %get3A_74 = tpu.vector_load %arg7[%get3A_73] {strides = array<i32>} : memref<128xi32, #tpu.memory_space<vmem>>, vector<16xi32>,
      %get3A_75 = vector.shape_cast %get3A_74 : vector<16xi32> to vector<16xi32>
      %add3A_76 = vector.broadcast %mul3A_29 : i32 to vector<16xi32>
      %add3A_77 = arith.addi %get3A_75, %add3A_76 : vector<16xi32>
      %swap3A_78 = arith.constant 80 : index
      %swap3A_79 = tpu.vector_load %arg8[%swap3A_78] {strides = array<i32>} : memref<128xi32, #tpu.memory_space<vmem>>, vector<16xi32>,
      %swap3A_80 = vector.shape_cast %swap3A_79 : vector<16xi32> to vector<16xi32>
      %swap3A_81 = vector.shape_cast %add3A_77 : vector<16xi32> to vector<16xi32>
      tpu.vector_store %arg8[%swap3A_78], %swap3A_81 {strides = array<i32>} : memref<128xi32, #tpu.memory_space<vmem>>, vector<16xi32>,
      %get3A_82 = arith.constant 96 : index
      %get3A_83 = tpu.vector_load %arg7[%get3A_82] {strides = array<i32>} : memref<128xi32, #tpu.memory_space<vmem>>, vector<16xi32>,
      %get3A_84 = vector.shape_cast %get3A_83 : vector<16xi32> to vector<16xi32>
      %add3A_85 = vector.broadcast %mul3A_29 : i32 to vector<16xi32>
      %add3A_86 = arith.addi %get3A_84, %add3A_85 : vector<16xi32>
      %swap3A_87 = arith.constant 96 : index
      %swap3A_88 = tpu.vector_load %arg8[%swap3A_87] {strides = array<i32>} : memref<128xi32, #tpu.memory_space<vmem>>, vector<16xi32>,
      %swap3A_89 = vector.shape_cast %swap3A_88 : vector<16xi32> to vector<16xi32>
      %swap3A_90 = vector.shape_cast %add3A_86 : vector<16xi32> to vector<16xi32>
      tpu.vector_store %arg8[%swap3A_87], %swap3A_90 {strides = array<i32>} : memref<128xi32, #tpu.memory_space<vmem>>, vector<16xi32>,
      %get3A_91 = arith.constant 112 : index
      %get3A_92 = tpu.vector_load %arg7[%get3A_91] {strides = array<i32>} : memref<128xi32, #tpu.memory_space<vmem>>, vector<16xi32>,
      %get3A_93 = vector.shape_cast %get3A_92 : vector<16xi32> to vector<16xi32>
      %add3A_94 = vector.broadcast %mul3A_29 : i32 to vector<16xi32>
      %add3A_95 = arith.addi %get3A_93, %add3A_94 : vector<16xi32>
      %swap3A_96 = arith.constant 112 : index
      %swap3A_97 = tpu.vector_load %arg8[%swap3A_96] {strides = array<i32>} : memref<128xi32, #tpu.memory_space<vmem>>, vector<16xi32>,
      %swap3A_98 = vector.shape_cast %swap3A_97 : vector<16xi32> to vector<16xi32>
      %swap3A_99 = vector.shape_cast %add3A_95 : vector<16xi32> to vector<16xi32>
      tpu.vector_store %arg8[%swap3A_96], %swap3A_99 {strides = array<i32>} : memref<128xi32, #tpu.memory_space<vmem>>, vector<16xi32>,
      %dma_start3A = arith.constant 0 : i32
      %dma_start3A_100 = arith.constant 0 : i32
      %dma_start3A_101 = tpu.memref_slice %arg2[%dma_start3A, %dma_start3A_100] : memref<20480x128xf32, #tpu.memory_space<hbm>> -> memref<20480x128xf32, #tpu.memory_space<hbm>>
      tpu.enqueue_indirect_dma source(%dma_start3A_101 : memref<20480x128xf32, #tpu.memory_space<hbm>>) target(%arg10 : memref<128x128xf32, #tpu.memory_space<vmem>>) offsets(%arg8 : memref<128xi32, #tpu.memory_space<vmem>>) semaphore(%arg12 : memref<!tpu.dma_semaphore, #tpu.memory_space<semaphore_mem>>)
      %dma_wait3A = arith.constant 0 : i32
      %dma_wait3A_102 = arith.constant 0 : i32
      %dma_wait3A_103 = tpu.memref_slice %arg2[%dma_wait3A, %dma_wait3A_102] : memref<20480x128xf32, #tpu.memory_space<hbm>> -> memref<20480x128xf32, #tpu.memory_space<hbm>>
      tpu.wait_indirect_dma semaphore(%arg12 : memref<!tpu.dma_semaphore, #tpu.memory_space<semaphore_mem>>) src(%dma_wait3A_103 : memref<20480x128xf32, #tpu.memory_space<hbm>>) dst(%arg10 : memref<128x128xf32, #tpu.memory_space<vmem>>)
      "tpu.region"() ({
        %run_scoped3A = tpu.sem_alloc : memref<!tpu.dma_semaphore, #tpu.memory_space<semaphore_mem>>
        %dma_start3A_104 = arith.constant 0 : i32
        %dma_start3A_105 = arith.constant 0 : i32
        %dma_start3A_106 = tpu.memref_slice %arg11[%dma_start3A_104, %dma_start3A_105] : memref<10240x128xf32, #tpu.memory_space<vmem_shared>> -> memref<10240x128xf32, #tpu.memory_space<vmem_shared>>
        tpu.enqueue_indirect_dma source(%arg10 : memref<128x128xf32, #tpu.memory_space<vmem>>) target(%dma_start3A_106 : memref<10240x128xf32, #tpu.memory_space<vmem_shared>>) offsets(%arg9 : memref<128xi32, #tpu.memory_space<vmem>>) semaphore(%run_scoped3A : memref<!tpu.dma_semaphore, #tpu.memory_space<semaphore_mem>>) {add = true}
        %dma_wait3A_107 = arith.constant 0 : i32
        %dma_wait3A_108 = arith.constant 0 : i32
        %dma_wait3A_109 = tpu.memref_slice %arg11[%dma_wait3A_107, %dma_wait3A_108] : memref<10240x128xf32, #tpu.memory_space<vmem_shared>> -> memref<10240x128xf32, #tpu.memory_space<vmem_shared>>
        tpu.wait_indirect_dma semaphore(%run_scoped3A : memref<!tpu.dma_semaphore, #tpu.memory_space<semaphore_mem>>) src(%arg10 : memref<128x128xf32, #tpu.memory_space<vmem>>) dst(%dma_wait3A_109 : memref<10240x128xf32, #tpu.memory_space<vmem_shared>>)
        tpu.yield
      }) : () -> ()
    }
    %while3A_16 = arith.constant 1 : i32
    scf.for %while3A_22 = %while3A_14 to %while3A_10 step %while3A_16  : i32 {
      %mul3A_23 = arith.constant 16 : i32
      %mul3A_24 = arith.muli %mul3A_23, %while3A_22 : i32
      %add3A_25 = arith.addi %arg1, %mul3A_24 : i32
      %mul3A_26 = arith.constant 128 : i32
      %mul3A_27 = arith.muli %add3A_25, %mul3A_26 : i32
      %multiple_of3A = tpu.assume_multiple %mul3A_27, 128 : i32
      "tpu.region"() ({
        %run_scoped3A = tpu.sem_alloc : memref<!tpu.dma_semaphore, #tpu.memory_space<semaphore_mem>>
        %dma_start3A_104 = tpu.memref_slice %arg4[%multiple_of3A] : memref<320000xi32, #tpu.memory_space<hbm>> -> memref<128xi32, #tpu.memory_space<hbm>>
        %dma_start3A_105 = tpu.memref_slice %arg4[%multiple_of3A] : memref<320000xi32, #tpu.memory_space<hbm>> -> memref<128xi32, #tpu.memory_space<hbm>>
        tpu.enqueue_dma source(%dma_start3A_105 : memref<128xi32, #tpu.memory_space<hbm>>) target(%arg9 : memref<128xi32, #tpu.memory_space<vmem>>) target_semaphore(%run_scoped3A : memref<!tpu.dma_semaphore, #tpu.memory_space<semaphore_mem>>)
        %dma_wait3A_106 = tpu.memref_slice %arg4[%multiple_of3A] : memref<320000xi32, #tpu.memory_space<hbm>> -> memref<128xi32, #tpu.memory_space<hbm>>
        %dma_wait3A_107 = tpu.memref_slice %arg4[%multiple_of3A] : memref<320000xi32, #tpu.memory_space<hbm>> -> memref<128xi32, #tpu.memory_space<hbm>>
        tpu.wait_dma2 semaphore(%run_scoped3A : memref<!tpu.dma_semaphore, #tpu.memory_space<semaphore_mem>>) src(%dma_wait3A_107 : memref<128xi32, #tpu.memory_space<hbm>>) dst(%arg9 : memref<128xi32, #tpu.memory_space<vmem>>)
        tpu.yield
      }) : () -> ()
      "tpu.region"() ({
        %run_scoped3A = tpu.sem_alloc : memref<!tpu.dma_semaphore, #tpu.memory_space<semaphore_mem>>
        %dma_start3A_104 = tpu.memref_slice %arg3[%multiple_of3A] : memref<320000xi32, #tpu.memory_space<hbm>> -> memref<128xi32, #tpu.memory_space<hbm>>
        %dma_start3A_105 = tpu.memref_slice %arg3[%multiple_of3A] : memref<320000xi32, #tpu.memory_space<hbm>> -> memref<128xi32, #tpu.memory_space<hbm>>
        tpu.enqueue_dma source(%dma_start3A_105 : memref<128xi32, #tpu.memory_space<hbm>>) target(%arg7 : memref<128xi32, #tpu.memory_space<vmem>>) target_semaphore(%run_scoped3A : memref<!tpu.dma_semaphore, #tpu.memory_space<semaphore_mem>>)
        %dma_wait3A_106 = tpu.memref_slice %arg3[%multiple_of3A] : memref<320000xi32, #tpu.memory_space<hbm>> -> memref<128xi32, #tpu.memory_space<hbm>>
        %dma_wait3A_107 = tpu.memref_slice %arg3[%multiple_of3A] : memref<320000xi32, #tpu.memory_space<hbm>> -> memref<128xi32, #tpu.memory_space<hbm>>
        tpu.wait_dma2 semaphore(%run_scoped3A : memref<!tpu.dma_semaphore, #tpu.memory_space<semaphore_mem>>) src(%dma_wait3A_107 : memref<128xi32, #tpu.memory_space<hbm>>) dst(%arg7 : memref<128xi32, #tpu.memory_space<vmem>>)
        tpu.yield
      }) : () -> ()
      %mul3A_28 = arith.constant 10240 : i32
      %mul3A_29 = arith.muli %arg0, %mul3A_28 : i32
      %get3A = arith.constant 0 : index
      %get3A_30 = tpu.vector_load %arg7[%get3A] {strides = array<i32>} : memref<128xi32, #tpu.memory_space<vmem>>, vector<16xi32>,
      %get3A_31 = vector.shape_cast %get3A_30 : vector<16xi32> to vector<16xi32>
      %add3A_32 = vector.broadcast %mul3A_29 : i32 to vector<16xi32>
      %add3A_33 = arith.addi %get3A_31, %add3A_32 : vector<16xi32>
      %swap3A = arith.constant 0 : index
      %swap3A_34 = tpu.vector_load %arg8[%swap3A] {strides = array<i32>} : memref<128xi32, #tpu.memory_space<vmem>>, vector<16xi32>,
      %swap3A_35 = vector.shape_cast %swap3A_34 : vector<16xi32> to vector<16xi32>
      %swap3A_36 = vector.shape_cast %add3A_33 : vector<16xi32> to vector<16xi32>
      tpu.vector_store %arg8[%swap3A], %swap3A_36 {strides = array<i32>} : memref<128xi32, #tpu.memory_space<vmem>>, vector<16xi32>,
      %get3A_37 = arith.constant 16 : index
      %get3A_38 = tpu.vector_load %arg7[%get3A_37] {strides = array<i32>} : memref<128xi32, #tpu.memory_space<vmem>>, vector<16xi32>,
      %get3A_39 = vector.shape_cast %get3A_38 : vector<16xi32> to vector<16xi32>
      %add3A_40 = vector.broadcast %mul3A_29 : i32 to vector<16xi32>
      %add3A_41 = arith.addi %get3A_39, %add3A_40 : vector<16xi32>
      %swap3A_42 = arith.constant 16 : index
      %swap3A_43 = tpu.vector_load %arg8[%swap3A_42] {strides = array<i32>} : memref<128xi32, #tpu.memory_space<vmem>>, vector<16xi32>,
      %swap3A_44 = vector.shape_cast %swap3A_43 : vector<16xi32> to vector<16xi32>
      %swap3A_45 = vector.shape_cast %add3A_41 : vector<16xi32> to vector<16xi32>
      tpu.vector_store %arg8[%swap3A_42], %swap3A_45 {strides = array<i32>} : memref<128xi32, #tpu.memory_space<vmem>>, vector<16xi32>,
      %get3A_46 = arith.constant 32 : index
      %get3A_47 = tpu.vector_load %arg7[%get3A_46] {strides = array<i32>} : memref<128xi32, #tpu.memory_space<vmem>>, vector<16xi32>,
      %get3A_48 = vector.shape_cast %get3A_47 : vector<16xi32> to vector<16xi32>
      %add3A_49 = vector.broadcast %mul3A_29 : i32 to vector<16xi32>
      %add3A_50 = arith.addi %get3A_48, %add3A_49 : vector<16xi32>
      %swap3A_51 = arith.constant 32 : index
      %swap3A_52 = tpu.vector_load %arg8[%swap3A_51] {strides = array<i32>} : memref<128xi32, #tpu.memory_space<vmem>>, vector<16xi32>,
      %swap3A_53 = vector.shape_cast %swap3A_52 : vector<16xi32> to vector<16xi32>
      %swap3A_54 = vector.shape_cast %add3A_50 : vector<16xi32> to vector<16xi32>
      tpu.vector_store %arg8[%swap3A_51], %swap3A_54 {strides = array<i32>} : memref<128xi32, #tpu.memory_space<vmem>>, vector<16xi32>,
      %get3A_55 = arith.constant 48 : index
      %get3A_56 = tpu.vector_load %arg7[%get3A_55] {strides = array<i32>} : memref<128xi32, #tpu.memory_space<vmem>>, vector<16xi32>,
      %get3A_57 = vector.shape_cast %get3A_56 : vector<16xi32> to vector<16xi32>
      %add3A_58 = vector.broadcast %mul3A_29 : i32 to vector<16xi32>
      %add3A_59 = arith.addi %get3A_57, %add3A_58 : vector<16xi32>
      %swap3A_60 = arith.constant 48 : index
      %swap3A_61 = tpu.vector_load %arg8[%swap3A_60] {strides = array<i32>} : memref<128xi32, #tpu.memory_space<vmem>>, vector<16xi32>,
      %swap3A_62 = vector.shape_cast %swap3A_61 : vector<16xi32> to vector<16xi32>
      %swap3A_63 = vector.shape_cast %add3A_59 : vector<16xi32> to vector<16xi32>
      tpu.vector_store %arg8[%swap3A_60], %swap3A_63 {strides = array<i32>} : memref<128xi32, #tpu.memory_space<vmem>>, vector<16xi32>,
      %get3A_64 = arith.constant 64 : index
      %get3A_65 = tpu.vector_load %arg7[%get3A_64] {strides = array<i32>} : memref<128xi32, #tpu.memory_space<vmem>>, vector<16xi32>,
      %get3A_66 = vector.shape_cast %get3A_65 : vector<16xi32> to vector<16xi32>
      %add3A_67 = vector.broadcast %mul3A_29 : i32 to vector<16xi32>
      %add3A_68 = arith.addi %get3A_66, %add3A_67 : vector<16xi32>
      %swap3A_69 = arith.constant 64 : index
      %swap3A_70 = tpu.vector_load %arg8[%swap3A_69] {strides = array<i32>} : memref<128xi32, #tpu.memory_space<vmem>>, vector<16xi32>,
      %swap3A_71 = vector.shape_cast %swap3A_70 : vector<16xi32> to vector<16xi32>
      %swap3A_72 = vector.shape_cast %add3A_68 : vector<16xi32> to vector<16xi32>
      tpu.vector_store %arg8[%swap3A_69], %swap3A_72 {strides = array<i32>} : memref<128xi32, #tpu.memory_space<vmem>>, vector<16xi32>,
      %get3A_73 = arith.constant 80 : index
      %get3A_74 = tpu.vector_load %arg7[%get3A_73] {strides = array<i32>} : memref<128xi32, #tpu.memory_space<vmem>>, vector<16xi32>,
      %get3A_75 = vector.shape_cast %get3A_74 : vector<16xi32> to vector<16xi32>
      %add3A_76 = vector.broadcast %mul3A_29 : i32 to vector<16xi32>
      %add3A_77 = arith.addi %get3A_75, %add3A_76 : vector<16xi32>
      %swap3A_78 = arith.constant 80 : index
      %swap3A_79 = tpu.vector_load %arg8[%swap3A_78] {strides = array<i32>} : memref<128xi32, #tpu.memory_space<vmem>>, vector<16xi32>,
      %swap3A_80 = vector.shape_cast %swap3A_79 : vector<16xi32> to vector<16xi32>
      %swap3A_81 = vector.shape_cast %add3A_77 : vector<16xi32> to vector<16xi32>
      tpu.vector_store %arg8[%swap3A_78], %swap3A_81 {strides = array<i32>} : memref<128xi32, #tpu.memory_space<vmem>>, vector<16xi32>,
      %get3A_82 = arith.constant 96 : index
      %get3A_83 = tpu.vector_load %arg7[%get3A_82] {strides = array<i32>} : memref<128xi32, #tpu.memory_space<vmem>>, vector<16xi32>,
      %get3A_84 = vector.shape_cast %get3A_83 : vector<16xi32> to vector<16xi32>
      %add3A_85 = vector.broadcast %mul3A_29 : i32 to vector<16xi32>
      %add3A_86 = arith.addi %get3A_84, %add3A_85 : vector<16xi32>
      %swap3A_87 = arith.constant 96 : index
      %swap3A_88 = tpu.vector_load %arg8[%swap3A_87] {strides = array<i32>} : memref<128xi32, #tpu.memory_space<vmem>>, vector<16xi32>,
      %swap3A_89 = vector.shape_cast %swap3A_88 : vector<16xi32> to vector<16xi32>
      %swap3A_90 = vector.shape_cast %add3A_86 : vector<16xi32> to vector<16xi32>
      tpu.vector_store %arg8[%swap3A_87], %swap3A_90 {strides = array<i32>} : memref<128xi32, #tpu.memory_space<vmem>>, vector<16xi32>,
      %get3A_91 = arith.constant 112 : index
      %get3A_92 = tpu.vector_load %arg7[%get3A_91] {strides = array<i32>} : memref<128xi32, #tpu.memory_space<vmem>>, vector<16xi32>,
      %get3A_93 = vector.shape_cast %get3A_92 : vector<16xi32> to vector<16xi32>
      %add3A_94 = vector.broadcast %mul3A_29 : i32 to vector<16xi32>
      %add3A_95 = arith.addi %get3A_93, %add3A_94 : vector<16xi32>
      %swap3A_96 = arith.constant 112 : index
      %swap3A_97 = tpu.vector_load %arg8[%swap3A_96] {strides = array<i32>} : memref<128xi32, #tpu.memory_space<vmem>>, vector<16xi32>,
      %swap3A_98 = vector.shape_cast %swap3A_97 : vector<16xi32> to vector<16xi32>
      %swap3A_99 = vector.shape_cast %add3A_95 : vector<16xi32> to vector<16xi32>
      tpu.vector_store %arg8[%swap3A_96], %swap3A_99 {strides = array<i32>} : memref<128xi32, #tpu.memory_space<vmem>>, vector<16xi32>,
      %dma_start3A = arith.constant 0 : i32
      %dma_start3A_100 = arith.constant 0 : i32
      %dma_start3A_101 = tpu.memref_slice %arg2[%dma_start3A, %dma_start3A_100] : memref<20480x128xf32, #tpu.memory_space<hbm>> -> memref<20480x128xf32, #tpu.memory_space<hbm>>
      tpu.enqueue_indirect_dma source(%dma_start3A_101 : memref<20480x128xf32, #tpu.memory_space<hbm>>) target(%arg10 : memref<128x128xf32, #tpu.memory_space<vmem>>) offsets(%arg8 : memref<128xi32, #tpu.memory_space<vmem>>) semaphore(%arg12 : memref<!tpu.dma_semaphore, #tpu.memory_space<semaphore_mem>>)
      %dma_wait3A = arith.constant 0 : i32
      %dma_wait3A_102 = arith.constant 0 : i32
      %dma_wait3A_103 = tpu.memref_slice %arg2[%dma_wait3A, %dma_wait3A_102] : memref<20480x128xf32, #tpu.memory_space<hbm>> -> memref<20480x128xf32, #tpu.memory_space<hbm>>
      tpu.wait_indirect_dma semaphore(%arg12 : memref<!tpu.dma_semaphore, #tpu.memory_space<semaphore_mem>>) src(%dma_wait3A_103 : memref<20480x128xf32, #tpu.memory_space<hbm>>) dst(%arg10 : memref<128x128xf32, #tpu.memory_space<vmem>>)
      "tpu.region"() ({
        %run_scoped3A = tpu.sem_alloc : memref<!tpu.dma_semaphore, #tpu.memory_space<semaphore_mem>>
        %dma_start3A_104 = arith.constant 0 : i32
        %dma_start3A_105 = arith.constant 0 : i32
        %dma_start3A_106 = tpu.memref_slice %arg11[%dma_start3A_104, %dma_start3A_105] : memref<10240x128xf32, #tpu.memory_space<vmem_shared>> -> memref<10240x128xf32, #tpu.memory_space<vmem_shared>>
        tpu.enqueue_indirect_dma source(%arg10 : memref<128x128xf32, #tpu.memory_space<vmem>>) target(%dma_start3A_106 : memref<10240x128xf32, #tpu.memory_space<vmem_shared>>) offsets(%arg9 : memref<128xi32, #tpu.memory_space<vmem>>) semaphore(%run_scoped3A : memref<!tpu.dma_semaphore, #tpu.memory_space<semaphore_mem>>) {add = true}
        %dma_wait3A_107 = arith.constant 0 : i32
        %dma_wait3A_108 = arith.constant 0 : i32
        %dma_wait3A_109 = tpu.memref_slice %arg11[%dma_wait3A_107, %dma_wait3A_108] : memref<10240x128xf32, #tpu.memory_space<vmem_shared>> -> memref<10240x128xf32, #tpu.memory_space<vmem_shared>>
        tpu.wait_indirect_dma semaphore(%run_scoped3A : memref<!tpu.dma_semaphore, #tpu.memory_space<semaphore_mem>>) src(%arg10 : memref<128x128xf32, #tpu.memory_space<vmem>>) dst(%dma_wait3A_109 : memref<10240x128xf32, #tpu.memory_space<vmem_shared>>)
        tpu.yield
      }) : () -> ()
    }
    %barrier3A_17 = arith.constant 0 : index
    tpu.barrier barrier_id(%barrier3A_17)
    %mul3A_18 = arith.constant 640 : i32
    %mul3A_19 = arith.muli %arg1, %mul3A_18 : i32
    %mul3A_20 = arith.constant 640 : i32
    %mul3A_21 = arith.muli %arg1, %mul3A_20 : i32
    "tpu.region"() ({
      %run_scoped3A = tpu.sem_alloc : memref<!tpu.dma_semaphore, #tpu.memory_space<semaphore_mem>>
      %dma_start3A = arith.constant 0 : i32
      %dma_start3A_22 = tpu.memref_slice %arg6[%arg0, %mul3A_21, %dma_start3A] : memref<2x10240x128xf32, #tpu.memory_space<hbm>> -> memref<1x640x128xf32, #tpu.memory_space<hbm>>
      %dma_start3A_23 = tpu.memref_squeeze %dma_start3A_22 : memref<1x640x128xf32, #tpu.memory_space<hbm>> -> memref<640x128xf32, #tpu.memory_space<hbm>>
      %dma_start3A_24 = arith.constant 0 : i32
      %dma_start3A_25 = tpu.memref_slice %arg11[%mul3A_19, %dma_start3A_24] : memref<10240x128xf32, #tpu.memory_space<vmem_shared>> -> memref<640x128xf32, #tpu.memory_space<vmem_shared>>
      tpu.enqueue_dma source(%dma_start3A_25 : memref<640x128xf32, #tpu.memory_space<vmem_shared>>) target(%dma_start3A_23 : memref<640x128xf32, #tpu.memory_space<hbm>>) target_semaphore(%run_scoped3A : memref<!tpu.dma_semaphore, #tpu.memory_space<semaphore_mem>>)
      %dma_wait3A = arith.constant 0 : i32
      %dma_wait3A_26 = tpu.memref_slice %arg6[%arg0, %mul3A_21, %dma_wait3A] : memref<2x10240x128xf32, #tpu.memory_space<hbm>> -> memref<1x640x128xf32, #tpu.memory_space<hbm>>
      %dma_wait3A_27 = tpu.memref_squeeze %dma_wait3A_26 : memref<1x640x128xf32, #tpu.memory_space<hbm>> -> memref<640x128xf32, #tpu.memory_space<hbm>>
      %dma_wait3A_28 = arith.constant 0 : i32
      %dma_wait3A_29 = tpu.memref_slice %arg11[%mul3A_19, %dma_wait3A_28] : memref<10240x128xf32, #tpu.memory_space<vmem_shared>> -> memref<640x128xf32, #tpu.memory_space<vmem_shared>>
      tpu.wait_dma2 semaphore(%run_scoped3A : memref<!tpu.dma_semaphore, #tpu.memory_space<semaphore_mem>>) src(%dma_wait3A_29 : memref<640x128xf32, #tpu.memory_space<vmem_shared>>) dst(%dma_wait3A_27 : memref<640x128xf32, #tpu.memory_space<hbm>>)
      tpu.yield
    }) : () -> ()
    return
  }
}

#map = affine_map<(d0, d1) -> (0, 0)>
#map1 = affine_map<(d0, d1) -> (0)>
#map2 = affine_map<(d0, d1) -> (0, 0, 0)>
module attributes {stable_mosaic.version = 14 : i64} {
  func.func @layer_kernel(%arg0: i32, %arg1: i32, %arg2: memref<128x128xf32, #tpu.memory_space<hbm>>, %arg3: memref<320000xi32, #tpu.memory_space<hbm>>, %arg4: memref<320000xi32, #tpu.memory_space<hbm>>, %arg5: memref<10240x128xf32, #tpu.memory_space<hbm>>, %arg6: memref<2x10240x128xf32, #tpu.memory_space<hbm>>, %arg7: memref<128xi32, #tpu.memory_space<vmem>>, %arg8: memref<128xi32, #tpu.memory_space<vmem>>, %arg9: memref<128xi32, #tpu.memory_space<vmem>>, %arg10: memref<128x128xf32, #tpu.memory_space<vmem>>, %arg11: memref<10240x128xf32, #tpu.memory_space<vmem_shared>>, %arg12: memref<!tpu.dma_semaphore, #tpu.memory_space<semaphore_mem>>) attributes {dimension_semantics = [#tpu.dimension_semantics<core_parallel>, #tpu.dimension_semantics<subcore_parallel>], iteration_bounds = array<i64: 2, 16>, scalar_prefetch = 0 : i64, scratch_operands = 6 : i64, tpu.core_type = #tpu.core_type<sc_vector_subcore>, window_params = [{transform_indices = #map}, {transform_indices = #map1}, {transform_indices = #map1}, {transform_indices = #map}, {transform_indices = #map2}]} {
    %mul3A = arith.constant 16 : i32
    %mul3A_0 = arith.muli %arg0, %mul3A : i32
    %add3A = arith.addi %mul3A_0, %arg1 : i32
    "tpu.region"() ({
      %run_scoped3A = tpu.sem_alloc : memref<!tpu.dma_semaphore, #tpu.memory_space<semaphore_mem>>
      tpu.enqueue_dma source(%arg2 : memref<128x128xf32, #tpu.memory_space<hbm>>) target(%arg10 : memref<128x128xf32, #tpu.memory_space<vmem>>) target_semaphore(%run_scoped3A : memref<!tpu.dma_semaphore, #tpu.memory_space<semaphore_mem>>)
      tpu.wait_dma2 semaphore(%run_scoped3A : memref<!tpu.dma_semaphore, #tpu.memory_space<semaphore_mem>>) src(%arg2 : memref<128x128xf32, #tpu.memory_space<hbm>>) dst(%arg10 : memref<128x128xf32, #tpu.memory_space<vmem>>)
      tpu.yield
    }) : () -> ()
    %mul3A_1 = arith.constant 640 : i32
    %mul3A_2 = arith.muli %arg1, %mul3A_1 : i32
    %mul3A_3 = arith.constant 640 : i32
    %mul3A_4 = arith.muli %arg1, %mul3A_3 : i32
    "tpu.region"() ({
      %run_scoped3A = tpu.sem_alloc : memref<!tpu.dma_semaphore, #tpu.memory_space<semaphore_mem>>
      %dma_start3A = arith.constant 0 : i32
      %dma_start3A_22 = tpu.memref_slice %arg11[%mul3A_4, %dma_start3A] : memref<10240x128xf32, #tpu.memory_space<vmem_shared>> -> memref<640x128xf32, #tpu.memory_space<vmem_shared>>
      %dma_start3A_23 = arith.constant 0 : i32
      %dma_start3A_24 = tpu.memref_slice %arg5[%mul3A_2, %dma_start3A_23] : memref<10240x128xf32, #tpu.memory_space<hbm>> -> memref<640x128xf32, #tpu.memory_space<hbm>>
      tpu.enqueue_dma source(%dma_start3A_24 : memref<640x128xf32, #tpu.memory_space<hbm>>) target(%dma_start3A_22 : memref<640x128xf32, #tpu.memory_space<vmem_shared>>) target_semaphore(%run_scoped3A : memref<!tpu.dma_semaphore, #tpu.memory_space<semaphore_mem>>)
      %dma_wait3A = arith.constant 0 : i32
      %dma_wait3A_25 = tpu.memref_slice %arg11[%mul3A_4, %dma_wait3A] : memref<10240x128xf32, #tpu.memory_space<vmem_shared>> -> memref<640x128xf32, #tpu.memory_space<vmem_shared>>
      %dma_wait3A_26 = arith.constant 0 : i32
      %dma_wait3A_27 = tpu.memref_slice %arg5[%mul3A_2, %dma_wait3A_26] : memref<10240x128xf32, #tpu.memory_space<hbm>> -> memref<640x128xf32, #tpu.memory_space<hbm>>
      tpu.wait_dma2 semaphore(%run_scoped3A : memref<!tpu.dma_semaphore, #tpu.memory_space<semaphore_mem>>) src(%dma_wait3A_27 : memref<640x128xf32, #tpu.memory_space<hbm>>) dst(%dma_wait3A_25 : memref<640x128xf32, #tpu.memory_space<vmem_shared>>)
      tpu.yield
    }) : () -> ()
    %barrier3A = arith.constant 0 : index
    tpu.barrier barrier_id(%barrier3A)
    %lt3A = arith.constant 4 : i32
    %lt3A_5 = arith.cmpi slt, %add3A, %lt3A : i32
    %convert_element_type3A = arith.extui %lt3A_5 : i1 to i32
    %add3A_6 = arith.constant 78 : i32
    %add3A_7 = arith.addi %add3A_6, %convert_element_type3A : i32
    %while3A = arith.constant 0 : i32
    %while3A_8 = arith.constant 0 : i32
    %while3A_9 = arith.subi %add3A_7, %while3A_8 : i32
    %while3A_10 = arith.addi %while3A_8, %while3A_9 : i32
    %while3A_11 = arith.constant 1 : i32
    %while3A_12 = arith.divsi %while3A_9, %while3A_11 : i32
    %while3A_13 = arith.muli %while3A_12, %while3A_11 : i32
    %while3A_14 = arith.addi %while3A_8, %while3A_13 : i32
    %while3A_15 = arith.constant 1 : i32
    scf.for %while3A_22 = %while3A_8 to %while3A_14 step %while3A_15  : i32 {
      %mul3A_23 = arith.constant 32 : i32
      %mul3A_24 = arith.muli %mul3A_23, %while3A_22 : i32
      %add3A_25 = arith.addi %add3A, %mul3A_24 : i32
      %mul3A_26 = arith.constant 128 : i32
      %mul3A_27 = arith.muli %add3A_25, %mul3A_26 : i32
      %multiple_of3A = tpu.assume_multiple %mul3A_27, 128 : i32
      "tpu.region"() ({
        %run_scoped3A = tpu.sem_alloc : memref<!tpu.dma_semaphore, #tpu.memory_space<semaphore_mem>>
        %dma_start3A = tpu.memref_slice %arg4[%multiple_of3A] : memref<320000xi32, #tpu.memory_space<hbm>> -> memref<128xi32, #tpu.memory_space<hbm>>
        %dma_start3A_28 = tpu.memref_slice %arg4[%multiple_of3A] : memref<320000xi32, #tpu.memory_space<hbm>> -> memref<128xi32, #tpu.memory_space<hbm>>
        tpu.enqueue_dma source(%dma_start3A_28 : memref<128xi32, #tpu.memory_space<hbm>>) target(%arg9 : memref<128xi32, #tpu.memory_space<vmem>>) target_semaphore(%run_scoped3A : memref<!tpu.dma_semaphore, #tpu.memory_space<semaphore_mem>>)
        %dma_wait3A = tpu.memref_slice %arg4[%multiple_of3A] : memref<320000xi32, #tpu.memory_space<hbm>> -> memref<128xi32, #tpu.memory_space<hbm>>
        %dma_wait3A_29 = tpu.memref_slice %arg4[%multiple_of3A] : memref<320000xi32, #tpu.memory_space<hbm>> -> memref<128xi32, #tpu.memory_space<hbm>>
        tpu.wait_dma2 semaphore(%run_scoped3A : memref<!tpu.dma_semaphore, #tpu.memory_space<semaphore_mem>>) src(%dma_wait3A_29 : memref<128xi32, #tpu.memory_space<hbm>>) dst(%arg9 : memref<128xi32, #tpu.memory_space<vmem>>)
        tpu.yield
      }) : () -> ()
      "tpu.region"() ({
        %run_scoped3A = tpu.sem_alloc : memref<!tpu.dma_semaphore, #tpu.memory_space<semaphore_mem>>
        %dma_start3A = arith.constant 0 : i32
        %dma_start3A_28 = arith.constant 0 : i32
        %dma_start3A_29 = tpu.memref_slice %arg11[%dma_start3A, %dma_start3A_28] : memref<10240x128xf32, #tpu.memory_space<vmem_shared>> -> memref<10240x128xf32, #tpu.memory_space<vmem_shared>>
        tpu.enqueue_indirect_dma source(%arg10 : memref<128x128xf32, #tpu.memory_space<vmem>>) target(%dma_start3A_29 : memref<10240x128xf32, #tpu.memory_space<vmem_shared>>) offsets(%arg9 : memref<128xi32, #tpu.memory_space<vmem>>) semaphore(%run_scoped3A : memref<!tpu.dma_semaphore, #tpu.memory_space<semaphore_mem>>) {add = true}
        %dma_wait3A = arith.constant 0 : i32
        %dma_wait3A_30 = arith.constant 0 : i32
        %dma_wait3A_31 = tpu.memref_slice %arg11[%dma_wait3A, %dma_wait3A_30] : memref<10240x128xf32, #tpu.memory_space<vmem_shared>> -> memref<10240x128xf32, #tpu.memory_space<vmem_shared>>
        tpu.wait_indirect_dma semaphore(%run_scoped3A : memref<!tpu.dma_semaphore, #tpu.memory_space<semaphore_mem>>) src(%arg10 : memref<128x128xf32, #tpu.memory_space<vmem>>) dst(%dma_wait3A_31 : memref<10240x128xf32, #tpu.memory_space<vmem_shared>>)
        tpu.yield
      }) : () -> ()
    }
    %while3A_16 = arith.constant 1 : i32
    scf.for %while3A_22 = %while3A_14 to %while3A_10 step %while3A_16  : i32 {
      %mul3A_23 = arith.constant 32 : i32
      %mul3A_24 = arith.muli %mul3A_23, %while3A_22 : i32
      %add3A_25 = arith.addi %add3A, %mul3A_24 : i32
      %mul3A_26 = arith.constant 128 : i32
      %mul3A_27 = arith.muli %add3A_25, %mul3A_26 : i32
      %multiple_of3A = tpu.assume_multiple %mul3A_27, 128 : i32
      "tpu.region"() ({
        %run_scoped3A = tpu.sem_alloc : memref<!tpu.dma_semaphore, #tpu.memory_space<semaphore_mem>>
        %dma_start3A = tpu.memref_slice %arg4[%multiple_of3A] : memref<320000xi32, #tpu.memory_space<hbm>> -> memref<128xi32, #tpu.memory_space<hbm>>
        %dma_start3A_28 = tpu.memref_slice %arg4[%multiple_of3A] : memref<320000xi32, #tpu.memory_space<hbm>> -> memref<128xi32, #tpu.memory_space<hbm>>
        tpu.enqueue_dma source(%dma_start3A_28 : memref<128xi32, #tpu.memory_space<hbm>>) target(%arg9 : memref<128xi32, #tpu.memory_space<vmem>>) target_semaphore(%run_scoped3A : memref<!tpu.dma_semaphore, #tpu.memory_space<semaphore_mem>>)
        %dma_wait3A = tpu.memref_slice %arg4[%multiple_of3A] : memref<320000xi32, #tpu.memory_space<hbm>> -> memref<128xi32, #tpu.memory_space<hbm>>
        %dma_wait3A_29 = tpu.memref_slice %arg4[%multiple_of3A] : memref<320000xi32, #tpu.memory_space<hbm>> -> memref<128xi32, #tpu.memory_space<hbm>>
        tpu.wait_dma2 semaphore(%run_scoped3A : memref<!tpu.dma_semaphore, #tpu.memory_space<semaphore_mem>>) src(%dma_wait3A_29 : memref<128xi32, #tpu.memory_space<hbm>>) dst(%arg9 : memref<128xi32, #tpu.memory_space<vmem>>)
        tpu.yield
      }) : () -> ()
      "tpu.region"() ({
        %run_scoped3A = tpu.sem_alloc : memref<!tpu.dma_semaphore, #tpu.memory_space<semaphore_mem>>
        %dma_start3A = arith.constant 0 : i32
        %dma_start3A_28 = arith.constant 0 : i32
        %dma_start3A_29 = tpu.memref_slice %arg11[%dma_start3A, %dma_start3A_28] : memref<10240x128xf32, #tpu.memory_space<vmem_shared>> -> memref<10240x128xf32, #tpu.memory_space<vmem_shared>>
        tpu.enqueue_indirect_dma source(%arg10 : memref<128x128xf32, #tpu.memory_space<vmem>>) target(%dma_start3A_29 : memref<10240x128xf32, #tpu.memory_space<vmem_shared>>) offsets(%arg9 : memref<128xi32, #tpu.memory_space<vmem>>) semaphore(%run_scoped3A : memref<!tpu.dma_semaphore, #tpu.memory_space<semaphore_mem>>) {add = true}
        %dma_wait3A = arith.constant 0 : i32
        %dma_wait3A_30 = arith.constant 0 : i32
        %dma_wait3A_31 = tpu.memref_slice %arg11[%dma_wait3A, %dma_wait3A_30] : memref<10240x128xf32, #tpu.memory_space<vmem_shared>> -> memref<10240x128xf32, #tpu.memory_space<vmem_shared>>
        tpu.wait_indirect_dma semaphore(%run_scoped3A : memref<!tpu.dma_semaphore, #tpu.memory_space<semaphore_mem>>) src(%arg10 : memref<128x128xf32, #tpu.memory_space<vmem>>) dst(%dma_wait3A_31 : memref<10240x128xf32, #tpu.memory_space<vmem_shared>>)
        tpu.yield
      }) : () -> ()
    }
    %barrier3A_17 = arith.constant 0 : index
    tpu.barrier barrier_id(%barrier3A_17)
    %mul3A_18 = arith.constant 640 : i32
    %mul3A_19 = arith.muli %arg1, %mul3A_18 : i32
    %mul3A_20 = arith.constant 640 : i32
    %mul3A_21 = arith.muli %arg1, %mul3A_20 : i32
    "tpu.region"() ({
      %run_scoped3A = tpu.sem_alloc : memref<!tpu.dma_semaphore, #tpu.memory_space<semaphore_mem>>
      %dma_start3A = arith.constant 0 : i32
      %dma_start3A_22 = tpu.memref_slice %arg6[%arg0, %mul3A_21, %dma_start3A] : memref<2x10240x128xf32, #tpu.memory_space<hbm>> -> memref<1x640x128xf32, #tpu.memory_space<hbm>>
      %dma_start3A_23 = tpu.memref_squeeze %dma_start3A_22 : memref<1x640x128xf32, #tpu.memory_space<hbm>> -> memref<640x128xf32, #tpu.memory_space<hbm>>
      %dma_start3A_24 = arith.constant 0 : i32
      %dma_start3A_25 = tpu.memref_slice %arg11[%mul3A_19, %dma_start3A_24] : memref<10240x128xf32, #tpu.memory_space<vmem_shared>> -> memref<640x128xf32, #tpu.memory_space<vmem_shared>>
      tpu.enqueue_dma source(%dma_start3A_25 : memref<640x128xf32, #tpu.memory_space<vmem_shared>>) target(%dma_start3A_23 : memref<640x128xf32, #tpu.memory_space<hbm>>) target_semaphore(%run_scoped3A : memref<!tpu.dma_semaphore, #tpu.memory_space<semaphore_mem>>)
      %dma_wait3A = arith.constant 0 : i32
      %dma_wait3A_26 = tpu.memref_slice %arg6[%arg0, %mul3A_21, %dma_wait3A] : memref<2x10240x128xf32, #tpu.memory_space<hbm>> -> memref<1x640x128xf32, #tpu.memory_space<hbm>>
      %dma_wait3A_27 = tpu.memref_squeeze %dma_wait3A_26 : memref<1x640x128xf32, #tpu.memory_space<hbm>> -> memref<640x128xf32, #tpu.memory_space<hbm>>
      %dma_wait3A_28 = arith.constant 0 : i32
      %dma_wait3A_29 = tpu.memref_slice %arg11[%mul3A_19, %dma_wait3A_28] : memref<10240x128xf32, #tpu.memory_space<vmem_shared>> -> memref<640x128xf32, #tpu.memory_space<vmem_shared>>
      tpu.wait_dma2 semaphore(%run_scoped3A : memref<!tpu.dma_semaphore, #tpu.memory_space<semaphore_mem>>) src(%dma_wait3A_29 : memref<640x128xf32, #tpu.memory_space<vmem_shared>>) dst(%dma_wait3A_27 : memref<640x128xf32, #tpu.memory_space<hbm>>)
      tpu.yield
    }) : () -> ()
    return
  }
}

#map = affine_map<(d0, d1) -> (0, 0)>
#map1 = affine_map<(d0, d1) -> (0)>
#map2 = affine_map<(d0, d1) -> (0, 0, 0)>
module attributes {stable_mosaic.version = 14 : i64} {
  func.func @layer_kernel(%arg0: i32, %arg1: i32, %arg2: memref<20480x128xf32, #tpu.memory_space<hbm>>, %arg3: memref<320000xi32, #tpu.memory_space<hbm>>, %arg4: memref<320000xi32, #tpu.memory_space<hbm>>, %arg5: memref<10240x128xf32, #tpu.memory_space<hbm>>, %arg6: memref<2x10240x128xf32, #tpu.memory_space<hbm>>, %arg7: memref<128xi32, #tpu.memory_space<vmem>>, %arg8: memref<128xi32, #tpu.memory_space<vmem>>, %arg9: memref<128xi32, #tpu.memory_space<vmem>>, %arg10: memref<128x128xf32, #tpu.memory_space<vmem>>, %arg11: memref<10240x128xf32, #tpu.memory_space<vmem_shared>>, %arg12: memref<!tpu.dma_semaphore, #tpu.memory_space<semaphore_mem>>) attributes {dimension_semantics = [#tpu.dimension_semantics<core_parallel>, #tpu.dimension_semantics<subcore_parallel>], iteration_bounds = array<i64: 2, 16>, scalar_prefetch = 0 : i64, scratch_operands = 6 : i64, tpu.core_type = #tpu.core_type<sc_vector_subcore>, window_params = [{transform_indices = #map}, {transform_indices = #map1}, {transform_indices = #map1}, {transform_indices = #map}, {transform_indices = #map2}]} {
    %mul3A = arith.constant 10240 : i32
    %mul3A_0 = arith.muli %arg0, %mul3A : i32
    %mul3A_1 = arith.constant 640 : i32
    %mul3A_2 = arith.muli %arg1, %mul3A_1 : i32
    %add3A = arith.addi %mul3A_0, %mul3A_2 : i32
    %mul3A_3 = arith.constant 640 : i32
    %mul3A_4 = arith.muli %arg1, %mul3A_3 : i32
    "tpu.region"() ({
      %run_scoped3A = tpu.sem_alloc : memref<!tpu.dma_semaphore, #tpu.memory_space<semaphore_mem>>
      %dma_start3A = arith.constant 0 : i32
      %dma_start3A_22 = tpu.memref_slice %arg11[%mul3A_4, %dma_start3A] : memref<10240x128xf32, #tpu.memory_space<vmem_shared>> -> memref<640x128xf32, #tpu.memory_space<vmem_shared>>
      %dma_start3A_23 = arith.constant 0 : i32
      %dma_start3A_24 = tpu.memref_slice %arg2[%add3A, %dma_start3A_23] : memref<20480x128xf32, #tpu.memory_space<hbm>> -> memref<640x128xf32, #tpu.memory_space<hbm>>
      tpu.enqueue_dma source(%dma_start3A_24 : memref<640x128xf32, #tpu.memory_space<hbm>>) target(%dma_start3A_22 : memref<640x128xf32, #tpu.memory_space<vmem_shared>>) target_semaphore(%run_scoped3A : memref<!tpu.dma_semaphore, #tpu.memory_space<semaphore_mem>>)
      %dma_wait3A = arith.constant 0 : i32
      %dma_wait3A_25 = tpu.memref_slice %arg11[%mul3A_4, %dma_wait3A] : memref<10240x128xf32, #tpu.memory_space<vmem_shared>> -> memref<640x128xf32, #tpu.memory_space<vmem_shared>>
      %dma_wait3A_26 = arith.constant 0 : i32
      %dma_wait3A_27 = tpu.memref_slice %arg2[%add3A, %dma_wait3A_26] : memref<20480x128xf32, #tpu.memory_space<hbm>> -> memref<640x128xf32, #tpu.memory_space<hbm>>
      tpu.wait_dma2 semaphore(%run_scoped3A : memref<!tpu.dma_semaphore, #tpu.memory_space<semaphore_mem>>) src(%dma_wait3A_27 : memref<640x128xf32, #tpu.memory_space<hbm>>) dst(%dma_wait3A_25 : memref<640x128xf32, #tpu.memory_space<vmem_shared>>)
      tpu.yield
    }) : () -> ()
    %barrier3A = arith.constant 0 : index
    tpu.barrier barrier_id(%barrier3A)
    %lt3A = arith.constant 4 : i32
    %lt3A_5 = arith.cmpi slt, %arg1, %lt3A : i32
    %convert_element_type3A = arith.extui %lt3A_5 : i1 to i32
    %add3A_6 = arith.constant 156 : i32
    %add3A_7 = arith.addi %add3A_6, %convert_element_type3A : i32
    %while3A = arith.constant 0 : i32
    %while3A_8 = arith.constant 0 : i32
    %while3A_9 = arith.subi %add3A_7, %while3A_8 : i32
    %while3A_10 = arith.addi %while3A_8, %while3A_9 : i32
    %while3A_11 = arith.constant 1 : i32
    %while3A_12 = arith.divsi %while3A_9, %while3A_11 : i32
    %while3A_13 = arith.muli %while3A_12, %while3A_11 : i32
    %while3A_14 = arith.addi %while3A_8, %while3A_13 : i32
    %while3A_15 = arith.constant 1 : i32
    scf.for %while3A_22 = %while3A_8 to %while3A_14 step %while3A_15  : i32 {
      %mul3A_23 = arith.constant 16 : i32
      %mul3A_24 = arith.muli %mul3A_23, %while3A_22 : i32
      %add3A_25 = arith.addi %arg1, %mul3A_24 : i32
      %mul3A_26 = arith.constant 128 : i32
      %mul3A_27 = arith.muli %add3A_25, %mul3A_26 : i32
      %multiple_of3A = tpu.assume_multiple %mul3A_27, 128 : i32
      "tpu.region"() ({
        %run_scoped3A = tpu.sem_alloc : memref<!tpu.dma_semaphore, #tpu.memory_space<semaphore_mem>>
        %dma_start3A_104 = tpu.memref_slice %arg4[%multiple_of3A] : memref<320000xi32, #tpu.memory_space<hbm>> -> memref<128xi32, #tpu.memory_space<hbm>>
        %dma_start3A_105 = tpu.memref_slice %arg4[%multiple_of3A] : memref<320000xi32, #tpu.memory_space<hbm>> -> memref<128xi32, #tpu.memory_space<hbm>>
        tpu.enqueue_dma source(%dma_start3A_105 : memref<128xi32, #tpu.memory_space<hbm>>) target(%arg9 : memref<128xi32, #tpu.memory_space<vmem>>) target_semaphore(%run_scoped3A : memref<!tpu.dma_semaphore, #tpu.memory_space<semaphore_mem>>)
        %dma_wait3A_106 = tpu.memref_slice %arg4[%multiple_of3A] : memref<320000xi32, #tpu.memory_space<hbm>> -> memref<128xi32, #tpu.memory_space<hbm>>
        %dma_wait3A_107 = tpu.memref_slice %arg4[%multiple_of3A] : memref<320000xi32, #tpu.memory_space<hbm>> -> memref<128xi32, #tpu.memory_space<hbm>>
        tpu.wait_dma2 semaphore(%run_scoped3A : memref<!tpu.dma_semaphore, #tpu.memory_space<semaphore_mem>>) src(%dma_wait3A_107 : memref<128xi32, #tpu.memory_space<hbm>>) dst(%arg9 : memref<128xi32, #tpu.memory_space<vmem>>)
        tpu.yield
      }) : () -> ()
      "tpu.region"() ({
        %run_scoped3A = tpu.sem_alloc : memref<!tpu.dma_semaphore, #tpu.memory_space<semaphore_mem>>
        %dma_start3A_104 = tpu.memref_slice %arg3[%multiple_of3A] : memref<320000xi32, #tpu.memory_space<hbm>> -> memref<128xi32, #tpu.memory_space<hbm>>
        %dma_start3A_105 = tpu.memref_slice %arg3[%multiple_of3A] : memref<320000xi32, #tpu.memory_space<hbm>> -> memref<128xi32, #tpu.memory_space<hbm>>
        tpu.enqueue_dma source(%dma_start3A_105 : memref<128xi32, #tpu.memory_space<hbm>>) target(%arg7 : memref<128xi32, #tpu.memory_space<vmem>>) target_semaphore(%run_scoped3A : memref<!tpu.dma_semaphore, #tpu.memory_space<semaphore_mem>>)
        %dma_wait3A_106 = tpu.memref_slice %arg3[%multiple_of3A] : memref<320000xi32, #tpu.memory_space<hbm>> -> memref<128xi32, #tpu.memory_space<hbm>>
        %dma_wait3A_107 = tpu.memref_slice %arg3[%multiple_of3A] : memref<320000xi32, #tpu.memory_space<hbm>> -> memref<128xi32, #tpu.memory_space<hbm>>
        tpu.wait_dma2 semaphore(%run_scoped3A : memref<!tpu.dma_semaphore, #tpu.memory_space<semaphore_mem>>) src(%dma_wait3A_107 : memref<128xi32, #tpu.memory_space<hbm>>) dst(%arg7 : memref<128xi32, #tpu.memory_space<vmem>>)
        tpu.yield
      }) : () -> ()
      %mul3A_28 = arith.constant 10240 : i32
      %mul3A_29 = arith.muli %arg0, %mul3A_28 : i32
      %get3A = arith.constant 0 : index
      %get3A_30 = tpu.vector_load %arg7[%get3A] {strides = array<i32>} : memref<128xi32, #tpu.memory_space<vmem>>, vector<16xi32>,
      %get3A_31 = vector.shape_cast %get3A_30 : vector<16xi32> to vector<16xi32>
      %add3A_32 = vector.broadcast %mul3A_29 : i32 to vector<16xi32>
      %add3A_33 = arith.addi %get3A_31, %add3A_32 : vector<16xi32>
      %swap3A = arith.constant 0 : index
      %swap3A_34 = tpu.vector_load %arg8[%swap3A] {strides = array<i32>} : memref<128xi32, #tpu.memory_space<vmem>>, vector<16xi32>,
      %swap3A_35 = vector.shape_cast %swap3A_34 : vector<16xi32> to vector<16xi32>
      %swap3A_36 = vector.shape_cast %add3A_33 : vector<16xi32> to vector<16xi32>
      tpu.vector_store %arg8[%swap3A], %swap3A_36 {strides = array<i32>} : memref<128xi32, #tpu.memory_space<vmem>>, vector<16xi32>,
      %get3A_37 = arith.constant 16 : index
      %get3A_38 = tpu.vector_load %arg7[%get3A_37] {strides = array<i32>} : memref<128xi32, #tpu.memory_space<vmem>>, vector<16xi32>,
      %get3A_39 = vector.shape_cast %get3A_38 : vector<16xi32> to vector<16xi32>
      %add3A_40 = vector.broadcast %mul3A_29 : i32 to vector<16xi32>
      %add3A_41 = arith.addi %get3A_39, %add3A_40 : vector<16xi32>
      %swap3A_42 = arith.constant 16 : index
      %swap3A_43 = tpu.vector_load %arg8[%swap3A_42] {strides = array<i32>} : memref<128xi32, #tpu.memory_space<vmem>>, vector<16xi32>,
      %swap3A_44 = vector.shape_cast %swap3A_43 : vector<16xi32> to vector<16xi32>
      %swap3A_45 = vector.shape_cast %add3A_41 : vector<16xi32> to vector<16xi32>
      tpu.vector_store %arg8[%swap3A_42], %swap3A_45 {strides = array<i32>} : memref<128xi32, #tpu.memory_space<vmem>>, vector<16xi32>,
      %get3A_46 = arith.constant 32 : index
      %get3A_47 = tpu.vector_load %arg7[%get3A_46] {strides = array<i32>} : memref<128xi32, #tpu.memory_space<vmem>>, vector<16xi32>,
      %get3A_48 = vector.shape_cast %get3A_47 : vector<16xi32> to vector<16xi32>
      %add3A_49 = vector.broadcast %mul3A_29 : i32 to vector<16xi32>
      %add3A_50 = arith.addi %get3A_48, %add3A_49 : vector<16xi32>
      %swap3A_51 = arith.constant 32 : index
      %swap3A_52 = tpu.vector_load %arg8[%swap3A_51] {strides = array<i32>} : memref<128xi32, #tpu.memory_space<vmem>>, vector<16xi32>,
      %swap3A_53 = vector.shape_cast %swap3A_52 : vector<16xi32> to vector<16xi32>
      %swap3A_54 = vector.shape_cast %add3A_50 : vector<16xi32> to vector<16xi32>
      tpu.vector_store %arg8[%swap3A_51], %swap3A_54 {strides = array<i32>} : memref<128xi32, #tpu.memory_space<vmem>>, vector<16xi32>,
      %get3A_55 = arith.constant 48 : index
      %get3A_56 = tpu.vector_load %arg7[%get3A_55] {strides = array<i32>} : memref<128xi32, #tpu.memory_space<vmem>>, vector<16xi32>,
      %get3A_57 = vector.shape_cast %get3A_56 : vector<16xi32> to vector<16xi32>
      %add3A_58 = vector.broadcast %mul3A_29 : i32 to vector<16xi32>
      %add3A_59 = arith.addi %get3A_57, %add3A_58 : vector<16xi32>
      %swap3A_60 = arith.constant 48 : index
      %swap3A_61 = tpu.vector_load %arg8[%swap3A_60] {strides = array<i32>} : memref<128xi32, #tpu.memory_space<vmem>>, vector<16xi32>,
      %swap3A_62 = vector.shape_cast %swap3A_61 : vector<16xi32> to vector<16xi32>
      %swap3A_63 = vector.shape_cast %add3A_59 : vector<16xi32> to vector<16xi32>
      tpu.vector_store %arg8[%swap3A_60], %swap3A_63 {strides = array<i32>} : memref<128xi32, #tpu.memory_space<vmem>>, vector<16xi32>,
      %get3A_64 = arith.constant 64 : index
      %get3A_65 = tpu.vector_load %arg7[%get3A_64] {strides = array<i32>} : memref<128xi32, #tpu.memory_space<vmem>>, vector<16xi32>,
      %get3A_66 = vector.shape_cast %get3A_65 : vector<16xi32> to vector<16xi32>
      %add3A_67 = vector.broadcast %mul3A_29 : i32 to vector<16xi32>
      %add3A_68 = arith.addi %get3A_66, %add3A_67 : vector<16xi32>
      %swap3A_69 = arith.constant 64 : index
      %swap3A_70 = tpu.vector_load %arg8[%swap3A_69] {strides = array<i32>} : memref<128xi32, #tpu.memory_space<vmem>>, vector<16xi32>,
      %swap3A_71 = vector.shape_cast %swap3A_70 : vector<16xi32> to vector<16xi32>
      %swap3A_72 = vector.shape_cast %add3A_68 : vector<16xi32> to vector<16xi32>
      tpu.vector_store %arg8[%swap3A_69], %swap3A_72 {strides = array<i32>} : memref<128xi32, #tpu.memory_space<vmem>>, vector<16xi32>,
      %get3A_73 = arith.constant 80 : index
      %get3A_74 = tpu.vector_load %arg7[%get3A_73] {strides = array<i32>} : memref<128xi32, #tpu.memory_space<vmem>>, vector<16xi32>,
      %get3A_75 = vector.shape_cast %get3A_74 : vector<16xi32> to vector<16xi32>
      %add3A_76 = vector.broadcast %mul3A_29 : i32 to vector<16xi32>
      %add3A_77 = arith.addi %get3A_75, %add3A_76 : vector<16xi32>
      %swap3A_78 = arith.constant 80 : index
      %swap3A_79 = tpu.vector_load %arg8[%swap3A_78] {strides = array<i32>} : memref<128xi32, #tpu.memory_space<vmem>>, vector<16xi32>,
      %swap3A_80 = vector.shape_cast %swap3A_79 : vector<16xi32> to vector<16xi32>
      %swap3A_81 = vector.shape_cast %add3A_77 : vector<16xi32> to vector<16xi32>
      tpu.vector_store %arg8[%swap3A_78], %swap3A_81 {strides = array<i32>} : memref<128xi32, #tpu.memory_space<vmem>>, vector<16xi32>,
      %get3A_82 = arith.constant 96 : index
      %get3A_83 = tpu.vector_load %arg7[%get3A_82] {strides = array<i32>} : memref<128xi32, #tpu.memory_space<vmem>>, vector<16xi32>,
      %get3A_84 = vector.shape_cast %get3A_83 : vector<16xi32> to vector<16xi32>
      %add3A_85 = vector.broadcast %mul3A_29 : i32 to vector<16xi32>
      %add3A_86 = arith.addi %get3A_84, %add3A_85 : vector<16xi32>
      %swap3A_87 = arith.constant 96 : index
      %swap3A_88 = tpu.vector_load %arg8[%swap3A_87] {strides = array<i32>} : memref<128xi32, #tpu.memory_space<vmem>>, vector<16xi32>,
      %swap3A_89 = vector.shape_cast %swap3A_88 : vector<16xi32> to vector<16xi32>
      %swap3A_90 = vector.shape_cast %add3A_86 : vector<16xi32> to vector<16xi32>
      tpu.vector_store %arg8[%swap3A_87], %swap3A_90 {strides = array<i32>} : memref<128xi32, #tpu.memory_space<vmem>>, vector<16xi32>,
      %get3A_91 = arith.constant 112 : index
      %get3A_92 = tpu.vector_load %arg7[%get3A_91] {strides = array<i32>} : memref<128xi32, #tpu.memory_space<vmem>>, vector<16xi32>,
      %get3A_93 = vector.shape_cast %get3A_92 : vector<16xi32> to vector<16xi32>
      %add3A_94 = vector.broadcast %mul3A_29 : i32 to vector<16xi32>
      %add3A_95 = arith.addi %get3A_93, %add3A_94 : vector<16xi32>
      %swap3A_96 = arith.constant 112 : index
      %swap3A_97 = tpu.vector_load %arg8[%swap3A_96] {strides = array<i32>} : memref<128xi32, #tpu.memory_space<vmem>>, vector<16xi32>,
      %swap3A_98 = vector.shape_cast %swap3A_97 : vector<16xi32> to vector<16xi32>
      %swap3A_99 = vector.shape_cast %add3A_95 : vector<16xi32> to vector<16xi32>
      tpu.vector_store %arg8[%swap3A_96], %swap3A_99 {strides = array<i32>} : memref<128xi32, #tpu.memory_space<vmem>>, vector<16xi32>,
      %dma_start3A = arith.constant 0 : i32
      %dma_start3A_100 = arith.constant 0 : i32
      %dma_start3A_101 = tpu.memref_slice %arg2[%dma_start3A, %dma_start3A_100] : memref<20480x128xf32, #tpu.memory_space<hbm>> -> memref<20480x128xf32, #tpu.memory_space<hbm>>
      tpu.enqueue_indirect_dma source(%dma_start3A_101 : memref<20480x128xf32, #tpu.memory_space<hbm>>) target(%arg10 : memref<128x128xf32, #tpu.memory_space<vmem>>) offsets(%arg8 : memref<128xi32, #tpu.memory_space<vmem>>) semaphore(%arg12 : memref<!tpu.dma_semaphore, #tpu.memory_space<semaphore_mem>>)
      %dma_wait3A = arith.constant 0 : i32
      %dma_wait3A_102 = arith.constant 0 : i32
      %dma_wait3A_103 = tpu.memref_slice %arg2[%dma_wait3A, %dma_wait3A_102] : memref<20480x128xf32, #tpu.memory_space<hbm>> -> memref<20480x128xf32, #tpu.memory_space<hbm>>
      tpu.wait_indirect_dma semaphore(%arg12 : memref<!tpu.dma_semaphore, #tpu.memory_space<semaphore_mem>>) src(%dma_wait3A_103 : memref<20480x128xf32, #tpu.memory_space<hbm>>) dst(%arg10 : memref<128x128xf32, #tpu.memory_space<vmem>>)
      "tpu.region"() ({
        %run_scoped3A = tpu.sem_alloc : memref<!tpu.dma_semaphore, #tpu.memory_space<semaphore_mem>>
        %dma_start3A_104 = arith.constant 0 : i32
        %dma_start3A_105 = arith.constant 0 : i32
        %dma_start3A_106 = tpu.memref_slice %arg11[%dma_start3A_104, %dma_start3A_105] : memref<10240x128xf32, #tpu.memory_space<vmem_shared>> -> memref<10240x128xf32, #tpu.memory_space<vmem_shared>>
        tpu.enqueue_indirect_dma source(%arg10 : memref<128x128xf32, #tpu.memory_space<vmem>>) target(%dma_start3A_106 : memref<10240x128xf32, #tpu.memory_space<vmem_shared>>) offsets(%arg9 : memref<128xi32, #tpu.memory_space<vmem>>) semaphore(%run_scoped3A : memref<!tpu.dma_semaphore, #tpu.memory_space<semaphore_mem>>) {add = true}
        %dma_wait3A_107 = arith.constant 0 : i32
        %dma_wait3A_108 = arith.constant 0 : i32
        %dma_wait3A_109 = tpu.memref_slice %arg11[%dma_wait3A_107, %dma_wait3A_108] : memref<10240x128xf32, #tpu.memory_space<vmem_shared>> -> memref<10240x128xf32, #tpu.memory_space<vmem_shared>>
        tpu.wait_indirect_dma semaphore(%run_scoped3A : memref<!tpu.dma_semaphore, #tpu.memory_space<semaphore_mem>>) src(%arg10 : memref<128x128xf32, #tpu.memory_space<vmem>>) dst(%dma_wait3A_109 : memref<10240x128xf32, #tpu.memory_space<vmem_shared>>)
        tpu.yield
      }) : () -> ()
    }
    %while3A_16 = arith.constant 1 : i32
    scf.for %while3A_22 = %while3A_14 to %while3A_10 step %while3A_16  : i32 {
      %mul3A_23 = arith.constant 16 : i32
      %mul3A_24 = arith.muli %mul3A_23, %while3A_22 : i32
      %add3A_25 = arith.addi %arg1, %mul3A_24 : i32
      %mul3A_26 = arith.constant 128 : i32
      %mul3A_27 = arith.muli %add3A_25, %mul3A_26 : i32
      %multiple_of3A = tpu.assume_multiple %mul3A_27, 128 : i32
      "tpu.region"() ({
        %run_scoped3A = tpu.sem_alloc : memref<!tpu.dma_semaphore, #tpu.memory_space<semaphore_mem>>
        %dma_start3A_104 = tpu.memref_slice %arg4[%multiple_of3A] : memref<320000xi32, #tpu.memory_space<hbm>> -> memref<128xi32, #tpu.memory_space<hbm>>
        %dma_start3A_105 = tpu.memref_slice %arg4[%multiple_of3A] : memref<320000xi32, #tpu.memory_space<hbm>> -> memref<128xi32, #tpu.memory_space<hbm>>
        tpu.enqueue_dma source(%dma_start3A_105 : memref<128xi32, #tpu.memory_space<hbm>>) target(%arg9 : memref<128xi32, #tpu.memory_space<vmem>>) target_semaphore(%run_scoped3A : memref<!tpu.dma_semaphore, #tpu.memory_space<semaphore_mem>>)
        %dma_wait3A_106 = tpu.memref_slice %arg4[%multiple_of3A] : memref<320000xi32, #tpu.memory_space<hbm>> -> memref<128xi32, #tpu.memory_space<hbm>>
        %dma_wait3A_107 = tpu.memref_slice %arg4[%multiple_of3A] : memref<320000xi32, #tpu.memory_space<hbm>> -> memref<128xi32, #tpu.memory_space<hbm>>
        tpu.wait_dma2 semaphore(%run_scoped3A : memref<!tpu.dma_semaphore, #tpu.memory_space<semaphore_mem>>) src(%dma_wait3A_107 : memref<128xi32, #tpu.memory_space<hbm>>) dst(%arg9 : memref<128xi32, #tpu.memory_space<vmem>>)
        tpu.yield
      }) : () -> ()
      "tpu.region"() ({
        %run_scoped3A = tpu.sem_alloc : memref<!tpu.dma_semaphore, #tpu.memory_space<semaphore_mem>>
        %dma_start3A_104 = tpu.memref_slice %arg3[%multiple_of3A] : memref<320000xi32, #tpu.memory_space<hbm>> -> memref<128xi32, #tpu.memory_space<hbm>>
        %dma_start3A_105 = tpu.memref_slice %arg3[%multiple_of3A] : memref<320000xi32, #tpu.memory_space<hbm>> -> memref<128xi32, #tpu.memory_space<hbm>>
        tpu.enqueue_dma source(%dma_start3A_105 : memref<128xi32, #tpu.memory_space<hbm>>) target(%arg7 : memref<128xi32, #tpu.memory_space<vmem>>) target_semaphore(%run_scoped3A : memref<!tpu.dma_semaphore, #tpu.memory_space<semaphore_mem>>)
        %dma_wait3A_106 = tpu.memref_slice %arg3[%multiple_of3A] : memref<320000xi32, #tpu.memory_space<hbm>> -> memref<128xi32, #tpu.memory_space<hbm>>
        %dma_wait3A_107 = tpu.memref_slice %arg3[%multiple_of3A] : memref<320000xi32, #tpu.memory_space<hbm>> -> memref<128xi32, #tpu.memory_space<hbm>>
        tpu.wait_dma2 semaphore(%run_scoped3A : memref<!tpu.dma_semaphore, #tpu.memory_space<semaphore_mem>>) src(%dma_wait3A_107 : memref<128xi32, #tpu.memory_space<hbm>>) dst(%arg7 : memref<128xi32, #tpu.memory_space<vmem>>)
        tpu.yield
      }) : () -> ()
      %mul3A_28 = arith.constant 10240 : i32
      %mul3A_29 = arith.muli %arg0, %mul3A_28 : i32
      %get3A = arith.constant 0 : index
      %get3A_30 = tpu.vector_load %arg7[%get3A] {strides = array<i32>} : memref<128xi32, #tpu.memory_space<vmem>>, vector<16xi32>,
      %get3A_31 = vector.shape_cast %get3A_30 : vector<16xi32> to vector<16xi32>
      %add3A_32 = vector.broadcast %mul3A_29 : i32 to vector<16xi32>
      %add3A_33 = arith.addi %get3A_31, %add3A_32 : vector<16xi32>
      %swap3A = arith.constant 0 : index
      %swap3A_34 = tpu.vector_load %arg8[%swap3A] {strides = array<i32>} : memref<128xi32, #tpu.memory_space<vmem>>, vector<16xi32>,
      %swap3A_35 = vector.shape_cast %swap3A_34 : vector<16xi32> to vector<16xi32>
      %swap3A_36 = vector.shape_cast %add3A_33 : vector<16xi32> to vector<16xi32>
      tpu.vector_store %arg8[%swap3A], %swap3A_36 {strides = array<i32>} : memref<128xi32, #tpu.memory_space<vmem>>, vector<16xi32>,
      %get3A_37 = arith.constant 16 : index
      %get3A_38 = tpu.vector_load %arg7[%get3A_37] {strides = array<i32>} : memref<128xi32, #tpu.memory_space<vmem>>, vector<16xi32>,
      %get3A_39 = vector.shape_cast %get3A_38 : vector<16xi32> to vector<16xi32>
      %add3A_40 = vector.broadcast %mul3A_29 : i32 to vector<16xi32>
      %add3A_41 = arith.addi %get3A_39, %add3A_40 : vector<16xi32>
      %swap3A_42 = arith.constant 16 : index
      %swap3A_43 = tpu.vector_load %arg8[%swap3A_42] {strides = array<i32>} : memref<128xi32, #tpu.memory_space<vmem>>, vector<16xi32>,
      %swap3A_44 = vector.shape_cast %swap3A_43 : vector<16xi32> to vector<16xi32>
      %swap3A_45 = vector.shape_cast %add3A_41 : vector<16xi32> to vector<16xi32>
      tpu.vector_store %arg8[%swap3A_42], %swap3A_45 {strides = array<i32>} : memref<128xi32, #tpu.memory_space<vmem>>, vector<16xi32>,
      %get3A_46 = arith.constant 32 : index
      %get3A_47 = tpu.vector_load %arg7[%get3A_46] {strides = array<i32>} : memref<128xi32, #tpu.memory_space<vmem>>, vector<16xi32>,
      %get3A_48 = vector.shape_cast %get3A_47 : vector<16xi32> to vector<16xi32>
      %add3A_49 = vector.broadcast %mul3A_29 : i32 to vector<16xi32>
      %add3A_50 = arith.addi %get3A_48, %add3A_49 : vector<16xi32>
      %swap3A_51 = arith.constant 32 : index
      %swap3A_52 = tpu.vector_load %arg8[%swap3A_51] {strides = array<i32>} : memref<128xi32, #tpu.memory_space<vmem>>, vector<16xi32>,
      %swap3A_53 = vector.shape_cast %swap3A_52 : vector<16xi32> to vector<16xi32>
      %swap3A_54 = vector.shape_cast %add3A_50 : vector<16xi32> to vector<16xi32>
      tpu.vector_store %arg8[%swap3A_51], %swap3A_54 {strides = array<i32>} : memref<128xi32, #tpu.memory_space<vmem>>, vector<16xi32>,
      %get3A_55 = arith.constant 48 : index
      %get3A_56 = tpu.vector_load %arg7[%get3A_55] {strides = array<i32>} : memref<128xi32, #tpu.memory_space<vmem>>, vector<16xi32>,
      %get3A_57 = vector.shape_cast %get3A_56 : vector<16xi32> to vector<16xi32>
      %add3A_58 = vector.broadcast %mul3A_29 : i32 to vector<16xi32>
      %add3A_59 = arith.addi %get3A_57, %add3A_58 : vector<16xi32>
      %swap3A_60 = arith.constant 48 : index
      %swap3A_61 = tpu.vector_load %arg8[%swap3A_60] {strides = array<i32>} : memref<128xi32, #tpu.memory_space<vmem>>, vector<16xi32>,
      %swap3A_62 = vector.shape_cast %swap3A_61 : vector<16xi32> to vector<16xi32>
      %swap3A_63 = vector.shape_cast %add3A_59 : vector<16xi32> to vector<16xi32>
      tpu.vector_store %arg8[%swap3A_60], %swap3A_63 {strides = array<i32>} : memref<128xi32, #tpu.memory_space<vmem>>, vector<16xi32>,
      %get3A_64 = arith.constant 64 : index
      %get3A_65 = tpu.vector_load %arg7[%get3A_64] {strides = array<i32>} : memref<128xi32, #tpu.memory_space<vmem>>, vector<16xi32>,
      %get3A_66 = vector.shape_cast %get3A_65 : vector<16xi32> to vector<16xi32>
      %add3A_67 = vector.broadcast %mul3A_29 : i32 to vector<16xi32>
      %add3A_68 = arith.addi %get3A_66, %add3A_67 : vector<16xi32>
      %swap3A_69 = arith.constant 64 : index
      %swap3A_70 = tpu.vector_load %arg8[%swap3A_69] {strides = array<i32>} : memref<128xi32, #tpu.memory_space<vmem>>, vector<16xi32>,
      %swap3A_71 = vector.shape_cast %swap3A_70 : vector<16xi32> to vector<16xi32>
      %swap3A_72 = vector.shape_cast %add3A_68 : vector<16xi32> to vector<16xi32>
      tpu.vector_store %arg8[%swap3A_69], %swap3A_72 {strides = array<i32>} : memref<128xi32, #tpu.memory_space<vmem>>, vector<16xi32>,
      %get3A_73 = arith.constant 80 : index
      %get3A_74 = tpu.vector_load %arg7[%get3A_73] {strides = array<i32>} : memref<128xi32, #tpu.memory_space<vmem>>, vector<16xi32>,
      %get3A_75 = vector.shape_cast %get3A_74 : vector<16xi32> to vector<16xi32>
      %add3A_76 = vector.broadcast %mul3A_29 : i32 to vector<16xi32>
      %add3A_77 = arith.addi %get3A_75, %add3A_76 : vector<16xi32>
      %swap3A_78 = arith.constant 80 : index
      %swap3A_79 = tpu.vector_load %arg8[%swap3A_78] {strides = array<i32>} : memref<128xi32, #tpu.memory_space<vmem>>, vector<16xi32>,
      %swap3A_80 = vector.shape_cast %swap3A_79 : vector<16xi32> to vector<16xi32>
      %swap3A_81 = vector.shape_cast %add3A_77 : vector<16xi32> to vector<16xi32>
      tpu.vector_store %arg8[%swap3A_78], %swap3A_81 {strides = array<i32>} : memref<128xi32, #tpu.memory_space<vmem>>, vector<16xi32>,
      %get3A_82 = arith.constant 96 : index
      %get3A_83 = tpu.vector_load %arg7[%get3A_82] {strides = array<i32>} : memref<128xi32, #tpu.memory_space<vmem>>, vector<16xi32>,
      %get3A_84 = vector.shape_cast %get3A_83 : vector<16xi32> to vector<16xi32>
      %add3A_85 = vector.broadcast %mul3A_29 : i32 to vector<16xi32>
      %add3A_86 = arith.addi %get3A_84, %add3A_85 : vector<16xi32>
      %swap3A_87 = arith.constant 96 : index
      %swap3A_88 = tpu.vector_load %arg8[%swap3A_87] {strides = array<i32>} : memref<128xi32, #tpu.memory_space<vmem>>, vector<16xi32>,
      %swap3A_89 = vector.shape_cast %swap3A_88 : vector<16xi32> to vector<16xi32>
      %swap3A_90 = vector.shape_cast %add3A_86 : vector<16xi32> to vector<16xi32>
      tpu.vector_store %arg8[%swap3A_87], %swap3A_90 {strides = array<i32>} : memref<128xi32, #tpu.memory_space<vmem>>, vector<16xi32>,
      %get3A_91 = arith.constant 112 : index
      %get3A_92 = tpu.vector_load %arg7[%get3A_91] {strides = array<i32>} : memref<128xi32, #tpu.memory_space<vmem>>, vector<16xi32>,
      %get3A_93 = vector.shape_cast %get3A_92 : vector<16xi32> to vector<16xi32>
      %add3A_94 = vector.broadcast %mul3A_29 : i32 to vector<16xi32>
      %add3A_95 = arith.addi %get3A_93, %add3A_94 : vector<16xi32>
      %swap3A_96 = arith.constant 112 : index
      %swap3A_97 = tpu.vector_load %arg8[%swap3A_96] {strides = array<i32>} : memref<128xi32, #tpu.memory_space<vmem>>, vector<16xi32>,
      %swap3A_98 = vector.shape_cast %swap3A_97 : vector<16xi32> to vector<16xi32>
      %swap3A_99 = vector.shape_cast %add3A_95 : vector<16xi32> to vector<16xi32>
      tpu.vector_store %arg8[%swap3A_96], %swap3A_99 {strides = array<i32>} : memref<128xi32, #tpu.memory_space<vmem>>, vector<16xi32>,
      %dma_start3A = arith.constant 0 : i32
      %dma_start3A_100 = arith.constant 0 : i32
      %dma_start3A_101 = tpu.memref_slice %arg2[%dma_start3A, %dma_start3A_100] : memref<20480x128xf32, #tpu.memory_space<hbm>> -> memref<20480x128xf32, #tpu.memory_space<hbm>>
      tpu.enqueue_indirect_dma source(%dma_start3A_101 : memref<20480x128xf32, #tpu.memory_space<hbm>>) target(%arg10 : memref<128x128xf32, #tpu.memory_space<vmem>>) offsets(%arg8 : memref<128xi32, #tpu.memory_space<vmem>>) semaphore(%arg12 : memref<!tpu.dma_semaphore, #tpu.memory_space<semaphore_mem>>)
      %dma_wait3A = arith.constant 0 : i32
      %dma_wait3A_102 = arith.constant 0 : i32
      %dma_wait3A_103 = tpu.memref_slice %arg2[%dma_wait3A, %dma_wait3A_102] : memref<20480x128xf32, #tpu.memory_space<hbm>> -> memref<20480x128xf32, #tpu.memory_space<hbm>>
      tpu.wait_indirect_dma semaphore(%arg12 : memref<!tpu.dma_semaphore, #tpu.memory_space<semaphore_mem>>) src(%dma_wait3A_103 : memref<20480x128xf32, #tpu.memory_space<hbm>>) dst(%arg10 : memref<128x128xf32, #tpu.memory_space<vmem>>)
      "tpu.region"() ({
        %run_scoped3A = tpu.sem_alloc : memref<!tpu.dma_semaphore, #tpu.memory_space<semaphore_mem>>
        %dma_start3A_104 = arith.constant 0 : i32
        %dma_start3A_105 = arith.constant 0 : i32
        %dma_start3A_106 = tpu.memref_slice %arg11[%dma_start3A_104, %dma_start3A_105] : memref<10240x128xf32, #tpu.memory_space<vmem_shared>> -> memref<10240x128xf32, #tpu.memory_space<vmem_shared>>
        tpu.enqueue_indirect_dma source(%arg10 : memref<128x128xf32, #tpu.memory_space<vmem>>) target(%dma_start3A_106 : memref<10240x128xf32, #tpu.memory_space<vmem_shared>>) offsets(%arg9 : memref<128xi32, #tpu.memory_space<vmem>>) semaphore(%run_scoped3A : memref<!tpu.dma_semaphore, #tpu.memory_space<semaphore_mem>>) {add = true}
        %dma_wait3A_107 = arith.constant 0 : i32
        %dma_wait3A_108 = arith.constant 0 : i32
        %dma_wait3A_109 = tpu.memref_slice %arg11[%dma_wait3A_107, %dma_wait3A_108] : memref<10240x128xf32, #tpu.memory_space<vmem_shared>> -> memref<10240x128xf32, #tpu.memory_space<vmem_shared>>
        tpu.wait_indirect_dma semaphore(%run_scoped3A : memref<!tpu.dma_semaphore, #tpu.memory_space<semaphore_mem>>) src(%arg10 : memref<128x128xf32, #tpu.memory_space<vmem>>) dst(%dma_wait3A_109 : memref<10240x128xf32, #tpu.memory_space<vmem_shared>>)
        tpu.yield
      }) : () -> ()
    }
    %barrier3A_17 = arith.constant 0 : index
    tpu.barrier barrier_id(%barrier3A_17)
    %mul3A_18 = arith.constant 640 : i32
    %mul3A_19 = arith.muli %arg1, %mul3A_18 : i32
    %mul3A_20 = arith.constant 640 : i32
    %mul3A_21 = arith.muli %arg1, %mul3A_20 : i32
    "tpu.region"() ({
      %run_scoped3A = tpu.sem_alloc : memref<!tpu.dma_semaphore, #tpu.memory_space<semaphore_mem>>
      %dma_start3A = arith.constant 0 : i32
      %dma_start3A_22 = tpu.memref_slice %arg6[%arg0, %mul3A_21, %dma_start3A] : memref<2x10240x128xf32, #tpu.memory_space<hbm>> -> memref<1x640x128xf32, #tpu.memory_space<hbm>>
      %dma_start3A_23 = tpu.memref_squeeze %dma_start3A_22 : memref<1x640x128xf32, #tpu.memory_space<hbm>> -> memref<640x128xf32, #tpu.memory_space<hbm>>
      %dma_start3A_24 = arith.constant 0 : i32
      %dma_start3A_25 = tpu.memref_slice %arg11[%mul3A_19, %dma_start3A_24] : memref<10240x128xf32, #tpu.memory_space<vmem_shared>> -> memref<640x128xf32, #tpu.memory_space<vmem_shared>>
      tpu.enqueue_dma source(%dma_start3A_25 : memref<640x128xf32, #tpu.memory_space<vmem_shared>>) target(%dma_start3A_23 : memref<640x128xf32, #tpu.memory_space<hbm>>) target_semaphore(%run_scoped3A : memref<!tpu.dma_semaphore, #tpu.memory_space<semaphore_mem>>)
      %dma_wait3A = arith.constant 0 : i32
      %dma_wait3A_26 = tpu.memref_slice %arg6[%arg0, %mul3A_21, %dma_wait3A] : memref<2x10240x128xf32, #tpu.memory_space<hbm>> -> memref<1x640x128xf32, #tpu.memory_space<hbm>>
      %dma_wait3A_27 = tpu.memref_squeeze %dma_wait3A_26 : memref<1x640x128xf32, #tpu.memory_space<hbm>> -> memref<640x128xf32, #tpu.memory_space<hbm>>
      %dma_wait3A_28 = arith.constant 0 : i32
      %dma_wait3A_29 = tpu.memref_slice %arg11[%mul3A_19, %dma_wait3A_28] : memref<10240x128xf32, #tpu.memory_space<vmem_shared>> -> memref<640x128xf32, #tpu.memory_space<vmem_shared>>
      tpu.wait_dma2 semaphore(%run_scoped3A : memref<!tpu.dma_semaphore, #tpu.memory_space<semaphore_mem>>) src(%dma_wait3A_29 : memref<640x128xf32, #tpu.memory_space<vmem_shared>>) dst(%dma_wait3A_27 : memref<640x128xf32, #tpu.memory_space<hbm>>)
      tpu.yield
    }) : () -> ()
    return
  }
}

module attributes {stable_mosaic.version = 14 : i64} {
  func.func @_tc1_body(%arg0: i32, %arg1: i32, %arg2: memref<1024x128xf32, #tpu.memory_space<vmem>>, %arg3: memref<128x128xf32, #tpu.memory_space<vmem>>, %arg4: memref<2x1024x128xf32, #tpu.memory_space<vmem>>, %arg5: memref<1024x128xf32, #tpu.memory_space<vmem>>) attributes {dimension_semantics = [#tpu.dimension_semantics<arbitrary>, #tpu.dimension_semantics<arbitrary>], iteration_bounds = array<i64: 2, 10>, scalar_prefetch = 0 : i64, scratch_operands = 0 : i64, tpu.core_type = #tpu.core_type<tc>, window_params = [{transform_indices = @transform_0, window_bounds = array<i64: 1024, 128>}, {transform_indices = @transform_1, window_bounds = array<i64: 128, 128>}, {transform_indices = @transform_2, window_bounds = array<i64: 2, 1024, 128>}, {transform_indices = @transform_3, window_bounds = array<i64: 1024, 128>}]} {
    %get3A = arith.constant 0 : index
    %get3A_0 = arith.constant 0 : index
    %get3A_1 = arith.constant 0 : index
    %get3A_2 = vector.load %arg4[%get3A, %get3A_0, %get3A_1] : memref<2x1024x128xf32, #tpu.memory_space<vmem>>, vector<2x1024x128xf32>
    %slice3A = vector.extract_strided_slice %get3A_2 {offsets = [0, 0, 0], sizes = [1, 1024, 1], strides = [1, 1, 1]} : vector<2x1024x128xf32> to vector<1x1024x1xf32>
    %squeeze3A = vector.shape_cast %slice3A : vector<1x1024x1xf32> to vector<1024x1xf32>
    %add3A = arith.constant 1.000000e+00 : f32
    %add3A_3 = vector.broadcast %add3A : f32 to vector<1024x1xf32>
    %add3A_4 = arith.addf %add3A_3, %squeeze3A : vector<1024x1xf32>
    %slice3A_5 = vector.extract_strided_slice %get3A_2 {offsets = [1, 0, 0], sizes = [1, 1024, 1], strides = [1, 1, 1]} : vector<2x1024x128xf32> to vector<1x1024x1xf32>
    %squeeze3A_6 = vector.shape_cast %slice3A_5 : vector<1x1024x1xf32> to vector<1024x1xf32>
    %add3A_7 = arith.addf %add3A_4, %squeeze3A_6 : vector<1024x1xf32>
    %rsqrt3A = math.rsqrt %add3A_7 : vector<1024x1xf32>
    %get3A_8 = arith.constant 0 : index
    %get3A_9 = arith.constant 0 : index
    %get3A_10 = vector.load %arg2[%get3A_8, %get3A_9] : memref<1024x128xf32, #tpu.memory_space<vmem>>, vector<1024x128xf32>
    %get3A_11 = arith.constant 0 : index
    %get3A_12 = arith.constant 0 : index
    %get3A_13 = vector.load %arg3[%get3A_11, %get3A_12] : memref<128x128xf32, #tpu.memory_space<vmem>>, vector<128x128xf32>
    %dot_general3A = arith.constant dense<0.000000e+00> : vector<1024x128xf32>
    %dot_general3A_14 = tpu.matmul %get3A_10, %get3A_13, %dot_general3A {dimension_numbers = #tpu.dot_dimension_numbers<[1], [0], [0], [1], [0, 0, 1, 1], [], []>, transpose_lhs_hint = false} : vector<1024x128xf32>, vector<128x128xf32>, vector<1024x128xf32> -> vector<1024x128xf32>
    %mul3A = vector.broadcast %rsqrt3A : vector<1024x1xf32> to vector<1024x128xf32>
    %mul3A_15 = arith.mulf %mul3A, %dot_general3A_14 : vector<1024x128xf32>
    %swap3A = arith.constant 0 : index
    %swap3A_16 = arith.constant 0 : index
    %swap3A_17 = vector.load %arg5[%swap3A, %swap3A_16] : memref<1024x128xf32, #tpu.memory_space<vmem>>, vector<1024x128xf32>
    tpu.vector_store %arg5[%swap3A, %swap3A_16], %mul3A_15 {strides = array<i32>} : memref<1024x128xf32, #tpu.memory_space<vmem>>, vector<1024x128xf32>,
    return
  }
  func.func @transform_0(%arg0: i32, %arg1: i32) -> (i32, i32) {
    %c0_i32 = arith.constant 0 : i32
    %c0_i32_0 = arith.constant 0 : i32
    return %arg1, %c0_i32 : i32, i32
  }
  func.func @transform_1(%arg0: i32, %arg1: i32) -> (i32, i32) {
    %c0_i32 = arith.constant 0 : i32
    %c0_i32_0 = arith.constant 0 : i32
    return %c0_i32, %arg0 : i32, i32
  }
  func.func @transform_2(%arg0: i32, %arg1: i32) -> (i32, i32, i32) {
    %c0_i32 = arith.constant 0 : i32
    %c0_i32_0 = arith.constant 0 : i32
    %c0_i32_1 = arith.constant 0 : i32
    return %c0_i32, %arg1, %c0_i32_0 : i32, i32, i32
  }
  func.func @transform_3(%arg0: i32, %arg1: i32) -> (i32, i32) {
    %mul3A = arith.constant 10 : i32
    %mul3A_0 = arith.muli %arg0, %mul3A : i32
    %add3A = arith.addi %mul3A_0, %arg1 : i32
    %c0_i32 = arith.constant 0 : i32
    %c0_i32_1 = arith.constant 0 : i32
    return %add3A, %c0_i32 : i32, i32
  }
}

module attributes {stable_mosaic.version = 14 : i64} {
  func.func @_tc_mid_body(%arg0: i32, %arg1: i32, %arg2: memref<2x1024x128xf32, #tpu.memory_space<vmem>>, %arg3: memref<1x256xf32, #tpu.memory_space<vmem>>, %arg4: memref<256x128xf32, #tpu.memory_space<vmem>>, %arg5: memref<2x1024x128xf32, #tpu.memory_space<vmem>>, %arg6: memref<1024x128xf32, #tpu.memory_space<vmem>>) attributes {dimension_semantics = [#tpu.dimension_semantics<arbitrary>, #tpu.dimension_semantics<arbitrary>], iteration_bounds = array<i64: 2, 10>, scalar_prefetch = 0 : i64, scratch_operands = 0 : i64, tpu.core_type = #tpu.core_type<tc>, window_params = [{transform_indices = @transform_0, window_bounds = array<i64: 2, 1024, 128>}, {pipeline_mode = #tpu.pipeline_mode<synchronous>, transform_indices = @transform_1, window_bounds = array<i64: 1, 256>}, {transform_indices = @transform_2, window_bounds = array<i64: 256, 128>}, {transform_indices = @transform_3, window_bounds = array<i64: 2, 1024, 128>}, {transform_indices = @transform_4, window_bounds = array<i64: 1024, 128>}]} {
    %get3A = arith.constant 0 : index
    %get3A_0 = arith.constant 0 : index
    %get3A_1 = arith.constant 0 : index
    %get3A_2 = vector.load %arg5[%get3A, %get3A_0, %get3A_1] : memref<2x1024x128xf32, #tpu.memory_space<vmem>>, vector<2x1024x128xf32>
    %slice3A = vector.extract_strided_slice %get3A_2 {offsets = [0, 0, 0], sizes = [1, 1024, 1], strides = [1, 1, 1]} : vector<2x1024x128xf32> to vector<1x1024x1xf32>
    %squeeze3A = vector.shape_cast %slice3A : vector<1x1024x1xf32> to vector<1024x1xf32>
    %add3A = arith.constant 1.000000e+00 : f32
    %add3A_3 = vector.broadcast %add3A : f32 to vector<1024x1xf32>
    %add3A_4 = arith.addf %add3A_3, %squeeze3A : vector<1024x1xf32>
    %slice3A_5 = vector.extract_strided_slice %get3A_2 {offsets = [1, 0, 0], sizes = [1, 1024, 1], strides = [1, 1, 1]} : vector<2x1024x128xf32> to vector<1x1024x1xf32>
    %squeeze3A_6 = vector.shape_cast %slice3A_5 : vector<1x1024x1xf32> to vector<1024x1xf32>
    %add3A_7 = arith.addf %add3A_4, %squeeze3A_6 : vector<1024x1xf32>
    %rsqrt3A = math.rsqrt %add3A_7 : vector<1024x1xf32>
    %get3A_8 = arith.constant 0 : index
    %get3A_9 = arith.constant 0 : index
    %get3A_10 = arith.constant 0 : index
    %get3A_11 = vector.load %arg2[%get3A_8, %get3A_9, %get3A_10] : memref<2x1024x128xf32, #tpu.memory_space<vmem>>, vector<1x1024x128xf32>
    %get3A_12 = vector.shape_cast %get3A_11 : vector<1x1024x128xf32> to vector<1024x128xf32>
    %get3A_13 = arith.constant 1 : index
    %get3A_14 = arith.constant 0 : index
    %get3A_15 = arith.constant 0 : index
    %get3A_16 = vector.load %arg2[%get3A_13, %get3A_14, %get3A_15] : memref<2x1024x128xf32, #tpu.memory_space<vmem>>, vector<1x1024x128xf32>
    %get3A_17 = vector.shape_cast %get3A_16 : vector<1x1024x128xf32> to vector<1024x128xf32>
    %concatenate3A = tpu.concatenate %get3A_12, %get3A_17 in 1 : vector<1024x128xf32>, vector<1024x128xf32> -> vector<1024x256xf32>
    %mul3A = vector.broadcast %rsqrt3A : vector<1024x1xf32> to vector<1024x256xf32>
    %mul3A_18 = arith.mulf %mul3A, %concatenate3A : vector<1024x256xf32>
    %get3A_19 = arith.constant 0 : index
    %get3A_20 = arith.constant 0 : index
    %get3A_21 = vector.load %arg3[%get3A_19, %get3A_20] : memref<1x256xf32, #tpu.memory_space<vmem>>, vector<1x256xf32>
    %add3A_22 = vector.broadcast %get3A_21 : vector<1x256xf32> to vector<1024x256xf32>
    %add3A_23 = arith.addf %mul3A_18, %add3A_22 : vector<1024x256xf32>
    %max3A = arith.constant 0.000000e+00 : f32
    %max3A_24 = vector.broadcast %max3A : f32 to vector<1024x256xf32>
    %max3A_25 = arith.maximumf %add3A_23, %max3A_24 : vector<1024x256xf32>
    %get3A_26 = arith.constant 0 : index
    %get3A_27 = arith.constant 0 : index
    %get3A_28 = vector.load %arg4[%get3A_26, %get3A_27] : memref<256x128xf32, #tpu.memory_space<vmem>>, vector<256x128xf32>
    %dot_general3A = arith.constant dense<0.000000e+00> : vector<1024x128xf32>
    %dot_general3A_29 = tpu.matmul %max3A_25, %get3A_28, %dot_general3A {dimension_numbers = #tpu.dot_dimension_numbers<[1], [0], [0], [1], [0, 0, 1, 1], [], []>, transpose_lhs_hint = false} : vector<1024x256xf32>, vector<256x128xf32>, vector<1024x128xf32> -> vector<1024x128xf32>
    %mul3A_30 = vector.broadcast %rsqrt3A : vector<1024x1xf32> to vector<1024x128xf32>
    %mul3A_31 = arith.mulf %mul3A_30, %dot_general3A_29 : vector<1024x128xf32>
    %swap3A = arith.constant 0 : index
    %swap3A_32 = arith.constant 0 : index
    %swap3A_33 = vector.load %arg6[%swap3A, %swap3A_32] : memref<1024x128xf32, #tpu.memory_space<vmem>>, vector<1024x128xf32>
    tpu.vector_store %arg6[%swap3A, %swap3A_32], %mul3A_31 {strides = array<i32>} : memref<1024x128xf32, #tpu.memory_space<vmem>>, vector<1024x128xf32>,
    return
  }
  func.func @transform_0(%arg0: i32, %arg1: i32) -> (i32, i32, i32) {
    %c0_i32 = arith.constant 0 : i32
    %c0_i32_0 = arith.constant 0 : i32
    %c0_i32_1 = arith.constant 0 : i32
    return %c0_i32, %arg1, %c0_i32_0 : i32, i32, i32
  }
  func.func @transform_1(%arg0: i32, %arg1: i32) -> (i32, i32) {
    %c0_i32 = arith.constant 0 : i32
    %c0_i32_0 = arith.constant 0 : i32
    %c0_i32_1 = arith.constant 0 : i32
    return %c0_i32, %c0_i32_0 : i32, i32
  }
  func.func @transform_2(%arg0: i32, %arg1: i32) -> (i32, i32) {
    %c0_i32 = arith.constant 0 : i32
    %c0_i32_0 = arith.constant 0 : i32
    return %c0_i32, %arg0 : i32, i32
  }
  func.func @transform_3(%arg0: i32, %arg1: i32) -> (i32, i32, i32) {
    %c0_i32 = arith.constant 0 : i32
    %c0_i32_0 = arith.constant 0 : i32
    %c0_i32_1 = arith.constant 0 : i32
    return %c0_i32, %arg1, %c0_i32_0 : i32, i32, i32
  }
  func.func @transform_4(%arg0: i32, %arg1: i32) -> (i32, i32) {
    %mul3A = arith.constant 10 : i32
    %mul3A_0 = arith.muli %arg0, %mul3A : i32
    %add3A = arith.addi %mul3A_0, %arg1 : i32
    %c0_i32 = arith.constant 0 : i32
    %c0_i32_1 = arith.constant 0 : i32
    return %add3A, %c0_i32 : i32, i32
  }
}

module attributes {stable_mosaic.version = 14 : i64} {
  func.func @_tc_mid_body(%arg0: i32, %arg1: memref<2x1024x128xf32, #tpu.memory_space<vmem>>, %arg2: memref<1x256xf32, #tpu.memory_space<vmem>>, %arg3: memref<256x128xf32, #tpu.memory_space<vmem>>, %arg4: memref<2x1024x128xf32, #tpu.memory_space<vmem>>, %arg5: memref<1024x128xf32, #tpu.memory_space<vmem>>) attributes {dimension_semantics = [#tpu.dimension_semantics<arbitrary>], iteration_bounds = array<i64: 10>, scalar_prefetch = 0 : i64, scratch_operands = 0 : i64, tpu.core_type = #tpu.core_type<tc>, window_params = [{transform_indices = @transform_0, window_bounds = array<i64: 2, 1024, 128>}, {pipeline_mode = #tpu.pipeline_mode<synchronous>, transform_indices = @transform_1, window_bounds = array<i64: 1, 256>}, {pipeline_mode = #tpu.pipeline_mode<synchronous>, transform_indices = @transform_2, window_bounds = array<i64: 256, 128>}, {transform_indices = @transform_3, window_bounds = array<i64: 2, 1024, 128>}, {transform_indices = @transform_4, window_bounds = array<i64: 1024, 128>}]} {
    %get3A = arith.constant 0 : index
    %get3A_0 = arith.constant 0 : index
    %get3A_1 = arith.constant 0 : index
    %get3A_2 = vector.load %arg4[%get3A, %get3A_0, %get3A_1] : memref<2x1024x128xf32, #tpu.memory_space<vmem>>, vector<2x1024x128xf32>
    %slice3A = vector.extract_strided_slice %get3A_2 {offsets = [0, 0, 0], sizes = [1, 1024, 1], strides = [1, 1, 1]} : vector<2x1024x128xf32> to vector<1x1024x1xf32>
    %squeeze3A = vector.shape_cast %slice3A : vector<1x1024x1xf32> to vector<1024x1xf32>
    %add3A = arith.constant 1.000000e+00 : f32
    %add3A_3 = vector.broadcast %add3A : f32 to vector<1024x1xf32>
    %add3A_4 = arith.addf %add3A_3, %squeeze3A : vector<1024x1xf32>
    %slice3A_5 = vector.extract_strided_slice %get3A_2 {offsets = [1, 0, 0], sizes = [1, 1024, 1], strides = [1, 1, 1]} : vector<2x1024x128xf32> to vector<1x1024x1xf32>
    %squeeze3A_6 = vector.shape_cast %slice3A_5 : vector<1x1024x1xf32> to vector<1024x1xf32>
    %add3A_7 = arith.addf %add3A_4, %squeeze3A_6 : vector<1024x1xf32>
    %rsqrt3A = math.rsqrt %add3A_7 : vector<1024x1xf32>
    %get3A_8 = arith.constant 0 : index
    %get3A_9 = arith.constant 0 : index
    %get3A_10 = arith.constant 0 : index
    %get3A_11 = vector.load %arg1[%get3A_8, %get3A_9, %get3A_10] : memref<2x1024x128xf32, #tpu.memory_space<vmem>>, vector<1x1024x128xf32>
    %get3A_12 = vector.shape_cast %get3A_11 : vector<1x1024x128xf32> to vector<1024x128xf32>
    %get3A_13 = arith.constant 1 : index
    %get3A_14 = arith.constant 0 : index
    %get3A_15 = arith.constant 0 : index
    %get3A_16 = vector.load %arg1[%get3A_13, %get3A_14, %get3A_15] : memref<2x1024x128xf32, #tpu.memory_space<vmem>>, vector<1x1024x128xf32>
    %get3A_17 = vector.shape_cast %get3A_16 : vector<1x1024x128xf32> to vector<1024x128xf32>
    %concatenate3A = tpu.concatenate %get3A_12, %get3A_17 in 1 : vector<1024x128xf32>, vector<1024x128xf32> -> vector<1024x256xf32>
    %mul3A = vector.broadcast %rsqrt3A : vector<1024x1xf32> to vector<1024x256xf32>
    %mul3A_18 = arith.mulf %mul3A, %concatenate3A : vector<1024x256xf32>
    %get3A_19 = arith.constant 0 : index
    %get3A_20 = arith.constant 0 : index
    %get3A_21 = vector.load %arg2[%get3A_19, %get3A_20] : memref<1x256xf32, #tpu.memory_space<vmem>>, vector<1x256xf32>
    %add3A_22 = vector.broadcast %get3A_21 : vector<1x256xf32> to vector<1024x256xf32>
    %add3A_23 = arith.addf %mul3A_18, %add3A_22 : vector<1024x256xf32>
    %max3A = arith.constant 0.000000e+00 : f32
    %max3A_24 = vector.broadcast %max3A : f32 to vector<1024x256xf32>
    %max3A_25 = arith.maximumf %add3A_23, %max3A_24 : vector<1024x256xf32>
    %get3A_26 = arith.constant 0 : index
    %get3A_27 = arith.constant 0 : index
    %get3A_28 = vector.load %arg3[%get3A_26, %get3A_27] : memref<256x128xf32, #tpu.memory_space<vmem>>, vector<256x128xf32>
    %dot_general3A = arith.constant dense<0.000000e+00> : vector<1024x128xf32>
    %dot_general3A_29 = tpu.matmul %max3A_25, %get3A_28, %dot_general3A {dimension_numbers = #tpu.dot_dimension_numbers<[1], [0], [0], [1], [0, 0, 1, 1], [], []>, transpose_lhs_hint = false} : vector<1024x256xf32>, vector<256x128xf32>, vector<1024x128xf32> -> vector<1024x128xf32>
    %mul3A_30 = vector.broadcast %rsqrt3A : vector<1024x1xf32> to vector<1024x128xf32>
    %mul3A_31 = arith.mulf %mul3A_30, %dot_general3A_29 : vector<1024x128xf32>
    %swap3A = arith.constant 0 : index
    %swap3A_32 = arith.constant 0 : index
    %swap3A_33 = vector.load %arg5[%swap3A, %swap3A_32] : memref<1024x128xf32, #tpu.memory_space<vmem>>, vector<1024x128xf32>
    tpu.vector_store %arg5[%swap3A, %swap3A_32], %mul3A_31 {strides = array<i32>} : memref<1024x128xf32, #tpu.memory_space<vmem>>, vector<1024x128xf32>,
    return
  }
  func.func @transform_0(%arg0: i32) -> (i32, i32, i32) {
    %c0_i32 = arith.constant 0 : i32
    %c0_i32_0 = arith.constant 0 : i32
    %c0_i32_1 = arith.constant 0 : i32
    return %c0_i32, %arg0, %c0_i32_0 : i32, i32, i32
  }
  func.func @transform_1(%arg0: i32) -> (i32, i32) {
    %c0_i32 = arith.constant 0 : i32
    %c0_i32_0 = arith.constant 0 : i32
    %c0_i32_1 = arith.constant 0 : i32
    return %c0_i32, %c0_i32_0 : i32, i32
  }
  func.func @transform_2(%arg0: i32) -> (i32, i32) {
    %c0_i32 = arith.constant 0 : i32
    %c0_i32_0 = arith.constant 0 : i32
    %c0_i32_1 = arith.constant 0 : i32
    return %c0_i32, %c0_i32_0 : i32, i32
  }
  func.func @transform_3(%arg0: i32) -> (i32, i32, i32) {
    %c0_i32 = arith.constant 0 : i32
    %c0_i32_0 = arith.constant 0 : i32
    %c0_i32_1 = arith.constant 0 : i32
    return %c0_i32, %arg0, %c0_i32_0 : i32, i32, i32
  }
  func.func @transform_4(%arg0: i32) -> (i32, i32) {
    %c0_i32 = arith.constant 0 : i32
    %c0_i32_0 = arith.constant 0 : i32
    return %arg0, %c0_i32 : i32, i32
  }
}

module attributes {stable_mosaic.version = 14 : i64} {
  func.func @_tc_head_body(%arg0: i32, %arg1: memref<2x1024x128xf32, #tpu.memory_space<vmem>>, %arg2: memref<1x128xf32, #tpu.memory_space<vmem>>, %arg3: memref<128x128xf32, #tpu.memory_space<vmem>>, %arg4: memref<1x128xf32, #tpu.memory_space<vmem>>, %arg5: memref<2x1024x128xf32, #tpu.memory_space<vmem>>, %arg6: memref<1024x128xf32, #tpu.memory_space<vmem>>, %arg7: memref<1024x128xf32, #tpu.memory_space<vmem>>) attributes {dimension_semantics = [#tpu.dimension_semantics<arbitrary>], iteration_bounds = array<i64: 10>, scalar_prefetch = 0 : i64, scratch_operands = 0 : i64, tpu.core_type = #tpu.core_type<tc>, window_params = [{transform_indices = @transform_0, window_bounds = array<i64: 2, 1024, 128>}, {pipeline_mode = #tpu.pipeline_mode<synchronous>, transform_indices = @transform_1, window_bounds = array<i64: 1, 128>}, {pipeline_mode = #tpu.pipeline_mode<synchronous>, transform_indices = @transform_2, window_bounds = array<i64: 128, 128>}, {pipeline_mode = #tpu.pipeline_mode<synchronous>, transform_indices = @transform_3, window_bounds = array<i64: 1, 128>}, {transform_indices = @transform_4, window_bounds = array<i64: 2, 1024, 128>}, {transform_indices = @transform_5, window_bounds = array<i64: 1024, 128>}, {transform_indices = @transform_6, window_bounds = array<i64: 1024, 128>}]} {
    %get3A = arith.constant 0 : index
    %get3A_0 = arith.constant 0 : index
    %get3A_1 = arith.constant 0 : index
    %get3A_2 = vector.load %arg5[%get3A, %get3A_0, %get3A_1] : memref<2x1024x128xf32, #tpu.memory_space<vmem>>, vector<2x1024x128xf32>
    %slice3A = vector.extract_strided_slice %get3A_2 {offsets = [0, 0, 0], sizes = [1, 1024, 1], strides = [1, 1, 1]} : vector<2x1024x128xf32> to vector<1x1024x1xf32>
    %squeeze3A = vector.shape_cast %slice3A : vector<1x1024x1xf32> to vector<1024x1xf32>
    %add3A = arith.constant 1.000000e+00 : f32
    %add3A_3 = vector.broadcast %add3A : f32 to vector<1024x1xf32>
    %add3A_4 = arith.addf %add3A_3, %squeeze3A : vector<1024x1xf32>
    %slice3A_5 = vector.extract_strided_slice %get3A_2 {offsets = [1, 0, 0], sizes = [1, 1024, 1], strides = [1, 1, 1]} : vector<2x1024x128xf32> to vector<1x1024x1xf32>
    %squeeze3A_6 = vector.shape_cast %slice3A_5 : vector<1x1024x1xf32> to vector<1024x1xf32>
    %add3A_7 = arith.addf %add3A_4, %squeeze3A_6 : vector<1024x1xf32>
    %rsqrt3A = math.rsqrt %add3A_7 : vector<1024x1xf32>
    %get3A_8 = arith.constant 0 : index
    %get3A_9 = arith.constant 0 : index
    %get3A_10 = arith.constant 0 : index
    %get3A_11 = vector.load %arg1[%get3A_8, %get3A_9, %get3A_10] : memref<2x1024x128xf32, #tpu.memory_space<vmem>>, vector<1x1024x128xf32>
    %get3A_12 = vector.shape_cast %get3A_11 : vector<1x1024x128xf32> to vector<1024x128xf32>
    %get3A_13 = arith.constant 1 : index
    %get3A_14 = arith.constant 0 : index
    %get3A_15 = arith.constant 0 : index
    %get3A_16 = vector.load %arg1[%get3A_13, %get3A_14, %get3A_15] : memref<2x1024x128xf32, #tpu.memory_space<vmem>>, vector<1x1024x128xf32>
    %get3A_17 = vector.shape_cast %get3A_16 : vector<1x1024x128xf32> to vector<1024x128xf32>
    %add3A_18 = arith.addf %get3A_12, %get3A_17 : vector<1024x128xf32>
    %mul3A = vector.broadcast %rsqrt3A : vector<1024x1xf32> to vector<1024x128xf32>
    %mul3A_19 = arith.mulf %mul3A, %add3A_18 : vector<1024x128xf32>
    %get3A_20 = arith.constant 0 : index
    %get3A_21 = arith.constant 0 : index
    %get3A_22 = vector.load %arg2[%get3A_20, %get3A_21] : memref<1x128xf32, #tpu.memory_space<vmem>>, vector<1x128xf32>
    %add3A_23 = vector.broadcast %get3A_22 : vector<1x128xf32> to vector<1024x128xf32>
    %add3A_24 = arith.addf %mul3A_19, %add3A_23 : vector<1024x128xf32>
    %max3A = arith.constant 0.000000e+00 : f32
    %max3A_25 = vector.broadcast %max3A : f32 to vector<1024x128xf32>
    %max3A_26 = arith.maximumf %add3A_24, %max3A_25 : vector<1024x128xf32>
    %swap3A = arith.constant 0 : index
    %swap3A_27 = arith.constant 0 : index
    %swap3A_28 = vector.load %arg6[%swap3A, %swap3A_27] : memref<1024x128xf32, #tpu.memory_space<vmem>>, vector<1024x128xf32>
    tpu.vector_store %arg6[%swap3A, %swap3A_27], %max3A_26 {strides = array<i32>} : memref<1024x128xf32, #tpu.memory_space<vmem>>, vector<1024x128xf32>,
    %get3A_29 = arith.constant 0 : index
    %get3A_30 = arith.constant 0 : index
    %get3A_31 = vector.load %arg3[%get3A_29, %get3A_30] : memref<128x128xf32, #tpu.memory_space<vmem>>, vector<128x128xf32>
    %dot_general3A = arith.constant dense<0.000000e+00> : vector<1024x128xf32>
    %dot_general3A_32 = tpu.matmul %max3A_26, %get3A_31, %dot_general3A {dimension_numbers = #tpu.dot_dimension_numbers<[1], [0], [0], [1], [0, 0, 1, 1], [], []>, transpose_lhs_hint = false} : vector<1024x128xf32>, vector<128x128xf32>, vector<1024x128xf32> -> vector<1024x128xf32>
    %get3A_33 = arith.constant 0 : index
    %get3A_34 = arith.constant 0 : index
    %get3A_35 = vector.load %arg4[%get3A_33, %get3A_34] : memref<1x128xf32, #tpu.memory_space<vmem>>, vector<1x128xf32>
    %add3A_36 = vector.broadcast %get3A_35 : vector<1x128xf32> to vector<1024x128xf32>
    %add3A_37 = arith.addf %dot_general3A_32, %add3A_36 : vector<1024x128xf32>
    %swap3A_38 = arith.constant 0 : index
    %swap3A_39 = arith.constant 0 : index
    %swap3A_40 = vector.load %arg7[%swap3A_38, %swap3A_39] : memref<1024x128xf32, #tpu.memory_space<vmem>>, vector<1024x128xf32>
    tpu.vector_store %arg7[%swap3A_38, %swap3A_39], %add3A_37 {strides = array<i32>} : memref<1024x128xf32, #tpu.memory_space<vmem>>, vector<1024x128xf32>,
    return
  }
  func.func @transform_0(%arg0: i32) -> (i32, i32, i32) {
    %c0_i32 = arith.constant 0 : i32
    %c0_i32_0 = arith.constant 0 : i32
    %c0_i32_1 = arith.constant 0 : i32
    return %c0_i32, %arg0, %c0_i32_0 : i32, i32, i32
  }
  func.func @transform_1(%arg0: i32) -> (i32, i32) {
    %c0_i32 = arith.constant 0 : i32
    %c0_i32_0 = arith.constant 0 : i32
    %c0_i32_1 = arith.constant 0 : i32
    return %c0_i32, %c0_i32_0 : i32, i32
  }
  func.func @transform_2(%arg0: i32) -> (i32, i32) {
    %c0_i32 = arith.constant 0 : i32
    %c0_i32_0 = arith.constant 0 : i32
    %c0_i32_1 = arith.constant 0 : i32
    return %c0_i32, %c0_i32_0 : i32, i32
  }
  func.func @transform_3(%arg0: i32) -> (i32, i32) {
    %c0_i32 = arith.constant 0 : i32
    %c0_i32_0 = arith.constant 0 : i32
    %c0_i32_1 = arith.constant 0 : i32
    return %c0_i32, %c0_i32_0 : i32, i32
  }
  func.func @transform_4(%arg0: i32) -> (i32, i32, i32) {
    %c0_i32 = arith.constant 0 : i32
    %c0_i32_0 = arith.constant 0 : i32
    %c0_i32_1 = arith.constant 0 : i32
    return %c0_i32, %arg0, %c0_i32_0 : i32, i32, i32
  }
  func.func @transform_5(%arg0: i32) -> (i32, i32) {
    %c0_i32 = arith.constant 0 : i32
    %c0_i32_0 = arith.constant 0 : i32
    return %arg0, %c0_i32 : i32, i32
  }
  func.func @transform_6(%arg0: i32) -> (i32, i32) {
    %c0_i32 = arith.constant 0 : i32
    %c0_i32_0 = arith.constant 0 : i32
    return %arg0, %c0_i32 : i32, i32
  }
}

</mosaic_0001>

<sc_bundles>
// kernel: kernel.10.cloned.1.call-start
scs
__scs_entry_jumppad:
0x0: {  	(pc) =	sbr.rel $0x88, $3  }
0x1: {  	(tag) =	ssettag $0x0;
	lr =	simm.s32 $0x1  }
0x2: {  	[smem:$0x3F97] =	sst lr;
	_ =	strace $0xD0000000  }
0x3: {  	_ = 	snop  }
0x4: {  	_ = 	snop  }
0x5: {  	_ = 	snop  }
0x6: {  	_ = 	snop  }
0x7: {  	_ = 	snop  }
__scs_overlays_trampoline_lowered:
0x8: {  	[smem:$0x3FA6] =	sst s0  }
0x9: {  	[smem:$0x3FA7] =	sst s1  }
0xa: {  	[smem:$0x3FA8] =	sst s2  }
0xb: {  	[smem:$0x3FA9] =	sst s3  }
0xc: {  	[smem:$0x3FAA] =	sst s4  }
0xd: {  	[smem:$0x3FAB] =	sst s5  }
0xe: {  	[smem:$0x3FAC] =	sst s6  }
0xf: {  	[smem:$0x3FAD] =	sst s7  }
0x10: {  	[smem:$0x3FAE] =	sst s8  }
0x11: {  	[smem:$0x3FAF] =	sst s9;
	s0 =	simm.s32 @!p0 $0x0  }
0x12: {  	s1 =	sld [smem:$0x3F95];
	s0 =	simm.s32 @p0 $0x1  }
0x13: {  	[smem:$0x3FB0] =	sst s0;
	s0 =	simm.s32 @!p1 $0x0  }
0x14: {  	s2 =	sld [smem:$0x3F94];
	s0 =	simm.s32 @p1 $0x1  }
0x15: {  	[smem:$0x3FB1] =	sst s0;
	s0 =	simm.s32 @!p2 $0x0  }
0x16: {  	s3 =	sld [smem:$0x3FDB];
	s0 =	simm.s32 @p2 $0x1  }
0x17: {  	s4 =	simm.s32 $0x1BF5;
	[smem:$0x3FB3] =	sst s0  }
0x18: {  	s0 =	sld [smem:$0x3F96];
	_ =	swait.ge [sflag:s4], $0x0  }
0x19: {  	s7 =	sld [smem:$0x3F97]  }
0x1a: {  	s8 =	sadd.s32 $0xFFFFE003, lr  }
0x1b: {  	s9 =	sadd.s32 $0xFFFFFEF7, lr;
	s5 =	simm.s32 $0xFFFFFFFF;
	p2 =	slt.u32 s8, $0xFFFFF086  }
0x1c: {  	p1 =	slt.u32 s9, $0xF7A;
	s5 =	simm.s32 @!p2 $0x0  }
0x1d: {  	s5 =	simm.s32 @p1 $0x1;
	p0 =	seq.s32 s7, s2  }
0x1e: {  	s7 =	smul.u32 @!p0 $0xF7A, s2;
	p2 =	seq.s32 @!p0 s5, $0x0  }
0x1f: {  	s9 =	smul.u32 $0xF7A, s1;
	s8 =	simm.s32 @!p0 $0x1BF5;
	p2 =	por !p2, p0  }
0x20: {  	[sflag:s8] =	ssyncset.s32 @!p0 $0xFFFFF086;
	s6 =	sadd.s32 @!p0 s3, s7;
	s7 =	simm.s32 @!p0 $0x108  }
0x21: {  	s3 =	sadd.s32 s3, s9;
	s6 =	sadd.s32 @!p0 $0x88, s6;
	s7 =	simm.s32 @p2 $0x1082  }
0x22: {  	[simem:s7], [sflag:s8] =	dma.local @!p0 [hbm:s6], $0xF7A  }
0x23: {  	s9 =	sor.u32 $0xD0000000, s2;
	s6 =	simm.s32 $0x108;
	_ =	swait.ge @!p0 [sflag:s8], $0x0  }
0x24: {  	s3 =	sadd.s32 $0x88, s3;
	s6 =	simm.s32 @!p1 $0x1082;
	[sflag:s4] =	ssyncset.s32 $0xFFFFF086  }
0x25: {  	[simem:s6], [sflag:s4] =	dma.local [hbm:s3], $0xF7A  }
0x26: {  	[smem:$0x3F97] =	sst s1;
	(tag) =	ssettag s2;
	_ =	strace s9  }
0x27: {  	s1 =	sld [smem:$0x3FA7]  }
0x28: {  	s2 =	sld [smem:$0x3FA8]  }
0x29: {  	s4 =	sld [smem:$0x3FAA]  }
0x2a: {  	p0 =	seq.s32 s5, $0x0;
	s5 =	sld [smem:$0x3FAB]  }
0x2b: {  	s6 =	sld [smem:$0x3FAC]  }
0x2c: {  	s7 =	sld [smem:$0x3FAD]  }
0x2d: {  	s3 =	simm.s32 $0x108;
	s8 =	sld [smem:$0x3FAE]  }
0x2e: {  	s3 =	simm.s32 @!p0 $0x1082;
	s9 =	sld [smem:$0x3FAF]  }
0x2f: {  	lr =	sadd.s32 s0, s3;
	s0 =	sld [smem:$0x3FA6]  }
0x30: {  	s3 =	sld [smem:$0x3FA9]  }
0x31: {  	[smem:$0x3FB2] =	sst s10  }
0x32: {  	s10 =	sld [smem:$0x3FB0];
	_ =	sdelay $0x3  }
0x33: {  	p0 =	seq.s32 s10, $0x1;
	s10 =	sld [smem:$0x3FB2];
	_ =	sdelay $0x3  }
0x34: {  	[smem:$0x3FB2] =	sst s10  }
0x35: {  	s10 =	sld [smem:$0x3FB1];
	_ =	sdelay $0x3  }
0x36: {  	p1 =	seq.s32 s10, $0x1;
	s10 =	sld [smem:$0x3FB2];
	_ =	sdelay $0x3  }
0x37: {  	[smem:$0x3FB2] =	sst s10  }
0x38: {  	s10 =	sld [smem:$0x3FB3]  }
0x39: {  	_ = 	snop;
	(pc) =	sbr.ind lr, $3  }
0x3a: {  	_ = 	snop  }
0x3b: {  	_ = 	snop  }
0x3c: {  	p2 =	seq.s32 s10, $0x1;
	s10 =	sld [smem:$0x3FB2]  }
0x3d: {  	_ =	shalt  }
0x3e: {  	_ =	shalt  }
0x3f: {  	_ =	shalt  }
0x40: {  	_ =	shalt  }
0x41: {  	_ =	shalt  }
0x42: {  	_ =	shalt  }
0x43: {  	_ =	shalt  }
0x44: {  	_ =	shalt  }
0x45: {  	_ =	shalt  }
0x46: {  	_ =	shalt  }
0x47: {  	_ =	shalt  }
0x48: {  	_ =	shalt  }
0x49: {  	_ =	shalt  }
0x4a: {  	_ =	shalt  }
0x4b: {  	_ =	shalt  }
0x4c: {  	_ =	shalt  }
0x4d: {  	_ =	shalt  }
0x4e: {  	_ =	shalt  }
0x4f: {  	_ =	shalt  }
0x50: {  	_ =	shalt  }
0x51: {  	_ =	shalt  }
0x52: {  	_ =	shalt  }
0x53: {  	_ =	shalt  }
0x54: {  	_ =	shalt  }
0x55: {  	_ =	shalt  }
0x56: {  	_ =	shalt  }
0x57: {  	_ =	shalt  }
0x58: {  	_ =	shalt  }
0x59: {  	_ =	shalt  }
0x5a: {  	_ =	shalt  }
0x5b: {  	_ =	shalt  }
0x5c: {  	_ =	shalt  }
0x5d: {  	_ =	shalt  }
0x5e: {  	_ =	shalt  }
0x5f: {  	_ =	shalt  }
0x60: {  	_ =	shalt  }
0x61: {  	_ =	shalt  }
0x62: {  	_ =	shalt  }
0x63: {  	_ =	shalt  }
0x64: {  	_ =	shalt  }
0x65: {  	_ =	shalt  }
0x66: {  	_ =	shalt  }
0x67: {  	_ =	shalt  }
0x68: {  	_ =	shalt  }
0x69: {  	_ =	shalt  }
0x6a: {  	_ =	shalt  }
0x6b: {  	_ =	shalt  }
0x6c: {  	_ =	shalt  }
0x6d: {  	_ =	shalt  }
0x6e: {  	_ =	shalt  }
0x6f: {  	_ =	shalt  }
0x70: {  	_ =	shalt  }
0x71: {  	_ =	shalt  }
0x72: {  	_ =	shalt  }
0x73: {  	_ =	shalt  }
0x74: {  	_ =	shalt  }
0x75: {  	_ =	shalt  }
0x76: {  	_ =	shalt  }
0x77: {  	_ =	shalt  }
0x78: {  	_ =	shalt  }
0x79: {  	_ =	shalt  }
0x7a: {  	_ =	shalt  }
0x7b: {  	_ =	shalt  }
0x7c: {  	_ =	shalt  }
0x7d: {  	_ =	shalt  }
0x7e: {  	_ =	shalt  }
0x7f: {  	_ =	shalt  }
0x80: {  	_ =	shalt  }
0x81: {  	_ =	shalt  }
0x82: {  	_ =	shalt  }
0x83: {  	_ =	shalt  }
0x84: {  	_ =	shalt  }
0x85: {  	_ =	shalt  }
0x86: {  	_ =	shalt  }
0x87: {  	_ =	shalt  }
.Lfunc_end0:
.L_simem_size_0:
called_computation_lowered:
.L_overlay_start_0:
0x88: {  	s2 =	sld [smem:$0x3FD9]  }
0x89: {  	s3 =	sld [smem:$0x3FFE];
	_ =	sdelay $0x1  }
0x8a: {  	s1 =	srdreg.scid  }
0x8b: {  	s0 =	sand.u32 $0x1, s1  }
0x8c: {  	s14 =	sshll.u32 s0, $0xA;
	s2 =	sadd.s32 s3, s2  }
0x8d: {  	s2 =	sadd.s32 s2, s14  }
0x8e: {  	[smem:$0x3FBE] =	sst s2  }
0x8f: {  	_ = 	snop  }
0x90: {  	s2 =	sld [smem:$0x3FD0];
	_ =	sdelay $0x2  }
0x91: {  	s15 =	simm.s32 $0xA;
	s4 =	simm.s32 $0x10  }
0x92: {  	[smem:s4], [sflag:s15] =	dma.local [hbm:s2], $0x1  }
0x93: {  	_ =	swait.eq [sflag:s15], $0x1  }
0x94: {  	[sflag:s15] =	ssyncset.done $0x0  }
0x95: {  	[sflag:s15] =	ssyncadd.s32 $0xFFFFFFFF  }
0x96: {  	s16 =	sld [smem:$0x11];
	(tm) =	ssettm $0x1  }
0x97: {  	s17 =	sld [smem:$0x3FFB];
	_ =	sdelay $0x3  }
0x98: {  	_ =	strace s17  }
0x99: {  	s3 =	sld [smem:$0x3FFC];
	_ =	sdelay $0x3  }
0x9a: {  	_ =	strace s3  }
0x9b: {  	s3 =	sld [smem:$0x3FFD];
	_ =	sdelay $0x3  }
0x9c: {  	_ =	strace s3  }
0x9d: {  	_ =	strace $0x8FFFFFFF  }
0x9e: {  	s18 =	sld [smem:$0x3FDB];
	_ =	sdelay $0x1  }
0x9f: {  	s19 =	simm.s32 $_scs_section_size  }
0xa0: {  	s5 =	simm.s32 $_size__tile_overlayer_lowered;
	s6 =	simm.s32 $_tile_overlayer_lowered  }
0xa1: {  	s22 =	simm.s32 $0x1BFF;
	s21 =	sshll.u32 s6, $0x1;
	s3 =	sadd.s32 s19, s18  }
0xa2: {  	s7 =	simm.s32 $0x0;
	s20 =	sshll.u32 s5, $0x1;
	s5 =	sadd.s32 s21, s3  }
0xa3: {  	[timem:s7], [sflag:s22] =	dma.local [hbm:s5], s20  }
0xa4: {  	_ =	swait.ge [sflag:s22], s20  }
0xa5: {  	s4 =	ssub.s32 $0x0, s20;
	[sflag:s22] =	ssyncset.done $0x0  }
0xa6: {  	[sflag:s22] =	ssyncadd.s32 s4;
	_ =	sdelay $0x1  }
0xa7: {  	s23 =	simm.s32 $0x1B8B  }
0xa8: {  	_ =	swait.ge [sflag:s23], $0x1  }
0xa9: {  	[sflag:s23] =	ssyncset.done $0x0  }
0xaa: {  	s25 =	simm.s32 $0x1B8E;
	s24 =	sld [smem:$0x3FFE];
	[sflag:s23] =	ssyncadd.s32 $0xFFFFFFFF  }
0xab: {  	s26 =	simm.s32 $execute0_lowered;
	[smem:$0x3FD2] =	sst s25  }
0xac: {  	s5 =	sshll.u32 s26, $0x1;
	_ =	strace $0x80000046;
	[dreg:$0x1] =	wrdreg $0xFFFFFFFF  }
0xad: {  	s28 =	simm.s32 $_size_execute0_lowered;
	s3 =	sadd.s32 s3, s5;
	[dreg:$0x0] =	wrdreg $0x0  }
0xae: {  	s5 =	sshll.u32 s28, $0x1;
	[dreg:$0x2] =	wrdreg s3  }
0xaf: {  	[dreg:$0x3] =	wrdreg s5  }
0xb0: {  	[dreg:$0x4] =	wrdreg $0xC0  }
0xb1: {  	_ =	task [dreg:s7], $0x5FFFF  }
0xb2: {  	[dreg:$0x1] =	wrdreg $0xFFFFFFFF  }
0xb3: {  	[dreg:$0x0] =	wrdreg $0x60  }
0xb4: {  	[dreg:$0x2] =	wrdreg s24  }
0xb5: {  	[dreg:$0x3] =	wrdreg s16  }
0xb6: {  	[dreg:$0x4] =	wrdreg $0x40800  }
0xb7: {  	[dreg:$0x5] =	wrdreg $0x9  }
0xb8: {  	_ =	task.clear_ibuf [dreg:s7], $0x6FFFF;
	_ =	strace $0x90000046  }
0xb9: {  	s29 =	simm.s32 $0x9;
	_ =	strace $0x80000048  }
0xba: {  	_ =	swait.ge [sflag:s29], $0x1  }
0xbb: {  	[sflag:s29] =	ssyncadd.s32 $0xFFFFFFFF  }
0xbc: {  	_ =	strace $0x90000048  }
0xbd: {  	_ =	sfence  }
0xbe: {  	s30 =	sld [smem:$0x0];
	_ =	sdelay $0x2  }
0xbf: {  	s31 =	sshll.u32 s1, $0xD;
	s1 =	sshrl.u32 s1, $0x2  }
0xc0: {  	s3 =	sand.u32 $0x4000, s31;
	s1 =	sadd.s32 s1, s30  }
0xc1: {  	s0 =	sor.u32 s3, s0;
	s1 =	sshll.u32 s1, $0x11  }
0xc2: {  	s0 =	sor.u32 s1, s0  }
0xc3: {  	s0 =	sadd.s32 $0x8F2B, s0  }
0xc4: {  	[sflag:s0] =	ssyncadd.remote.s32 $0x1  }
0xc5: {  	_ =	sfence.sel $0xFFFF  }
0xc6: {  	[dreg:$0x0] =	wrdreg $0xFFFFFFFF;
	(pc) =	sbr.abs _section_cstart, $3  }
0xc7: {  	[dreg:$0x1] =	wrdreg $0xFFFFFFFF  }
0xc8: {  	_ =	task.clear_ibuf [dreg:s7], $0x2FFFF;
	_ =	strace $0x9FFFFFFF  }
0xc9: {  	(tm) =	ssettm $0x7FFFFFFF  }
tec
execute0_lowered:
.L_overlay_start_1:
0x0: {  	(tag) =	ssettag $0x1  }
0x1: {  	s5 =	rddreg [dreg:$0x0]  }
0x2: {  	s9 =	rddreg [dreg:$0x1]  }
0x3: {  	s2 =	rddreg [dreg:$0x2]  }
0x4: {  	s0 =	rddreg [dreg:$0x3]  }
0x5: {  	s1 =	stileid.u32;
	s4 =	srdreg.scid;
	s3 =	simm.s32 $0x0  }
0x6: {  	s14 =	simm.s32 $0x0;
	s6 =	smul.u32 $0x14000, s1;
	s7 =	sand.u32 $0x1, s4  }
0x7: {  	[smem:$0x7FF] =	sst s3;
	s4 =	sadd.s32 $0x3800, s5;
	s11 =	smul.u32 $0x50000, s1  }
0x8: {  	s29 =	sshll.u32 s1, $0x7;
	s31 =	sshll.u32 s1, $0x6;
	s8 =	smul.u32 $0x140000, s7  }
0x9: {  	_ =	strace $0x80000047;
	s22 =	ssub.s32 $0x2, s7;
	s24 =	sshll.u32 s7, $0x4  }
0xa: {  	s28 =	sshll.u32 s7, $0xB;
	s10 =	sshrl.u32 s6, $0x3;
	s23 =	sshrl.u32 s22, $0x1  }
0xb: {  	s25 =	sor.u32 s1, s24;
	s26 =	sshrl.u32 s11, $0x2;
	s7 =	sor.u32 s29, s28  }
0xc: {  	s11 =	simm.s32 $0x1;
	s10 =	sadd.s32 s10, s5;
	s6 =	sadd.s32 s6, s8  }
0xd: {  	s8 =	ssub.s32 s22, s23;
	s13 =	sadd.s32 s26, s2;
	p0 =	slt.u32 s25, $0x4  }
0xe: {  	s30 =	sshrl.u32 s7, $0x3;
	s6 =	sshrl.u32 s6, $0x3;
	s8 =	smax.u32 s8, $0x1  }
0xf: {  	s9 =	sadd.s32 s30, s9;
	s13 =	sshrl.u32 s13, $0x3;
	s12 =	sadd.s32 s6, s5  }
0x10: {  	s5 =	simm.s32 $0x4F;
	s6 =	sadd.s32 $0x4000, s10;
	s10 =	simm.s32 $0x80  }
0x11: {  	s5 =	simm.s32 @!p0 $0x4E;
	s7 =	sadd.s32 $0x2C000, s12;
	s12 =	sor.u32 $0x1C01, s31  }
.LBB2_1:
0x12: {  	[tilespmem:s10], [sflag:$0x1] =	stream.linear.gather [hbm4b:s4+s3], $0x4000, $0x38;
	[tilespmem:$0x18080] =	vst v63  }
0x13: {  	_ =	swait.ge [sflag:s11], $0x4000  }
0x14: {  	[sflag:s11] =	ssyncset.done $0x0  }
0x15: {  	[sflag:s11] =	ssyncadd.s32 $0xFFFFC000  }
0x16: {  	[spmem:s13], [sflag:s12] =	dma.local [hbm:s6], $0x2800  }
0x17: {  	_ =	swait.ge [sflag:s11], $0x2800  }
0x18: {  	[sflag:s11] =	ssyncset.done $0x0  }
0x19: {  	[sflag:s11] =	ssyncadd.s32 $0xFFFFD800  }
0x1a: {  	[bflag:$0x0] =	sbarrier.arrive $0xFFFF  }
0x1b: {  	[tilespmem:s3], [sflag:$0x1] =	stream.linear.gather [hbm4b:s9+s3], $0x80, $0x38;
	[tilespmem:$0x18080] =	vst v63  }
0x1c: {  	p0 =	sne.s32 s5, $0x1;
	_ =	swait.ge [sflag:s11], $0x80  }
.Ltmp0:
0x1d: {  	[sflag:s11] =	ssyncset.done $0x0;
	(pc) =	sbr.rel @!p0 .LBB2_3-.Ltmp0, $4  }
0x1e: {  	[sflag:s11] =	ssyncadd.s32 $0xFFFFFF80  }
0x1f: {  	[spmem:s2] =	stream.indirect.scatter.add.f32 [tilespmem:s10], [sflag:$0x1], $0x80, s3, s10, $0xb8;
	[tilespmem:$0x18080] =	vst v63  }
0x20: {  	_ =	swait.ge [sflag:s11], $0x4000  }
0x21: {  	s15 =	sadd.s32 $0xFFFFFFFF, s5;
	s16 =	smov.u32 s9;
	[sflag:s11] =	ssyncset.done $0x0  }
.LBB2_2:
0x22: {  	p0 =	sne.s32 s15, $0x1;
	[sflag:s11] =	ssyncadd.s32 $0xFFFFC000;
	s16 =	sadd.s32 $0x200, s16  }
0x23: {  	[tilespmem:s3], [sflag:$0x1] =	stream.linear.gather [hbm4b:s16+s3], $0x80, $0x38;
	[tilespmem:$0x18080] =	vst v63  }
0x24: {  	s15 =	sadd.s32 $0xFFFFFFFF, s15;
	_ =	swait.ge [sflag:s11], $0x80  }
.Ltmp1:
0x25: {  	[sflag:s11] =	ssyncset.done $0x0;
	(pc) =	sbr.rel @p0 .LBB2_2-.Ltmp1, $4  }
0x26: {  	[sflag:s11] =	ssyncadd.s32 $0xFFFFFF80  }
0x27: {  	[spmem:s2] =	stream.indirect.scatter.add.f32 [tilespmem:s10], [sflag:$0x1], $0x80, s3, s10, $0xb8;
	[tilespmem:$0x18080] =	vst v63  }
0x28: {  	_ =	swait.ge [sflag:s11], $0x4000  }
0x29: {  	[sflag:s11] =	ssyncset.done $0x0  }
.LBB2_3:
0x2a: {  	s14 =	sadd.s32 $0x1, s14  }
0x2b: {  	[sflag:s11] =	ssyncadd.s32 $0xFFFFC000;
	p0 =	sne.s32 s14, s8  }
.Ltmp2:
0x2c: {  	[bflag:$0x0] =	sbarrier.arrive $0xFFFF;
	(pc) =	sbr.rel @p0 .LBB2_1-.Ltmp2, $4  }
0x2d: {  	[hbm:s7], [sflag:s12] =	dma.local [spmem:s13], $0x2800  }
0x2e: {  	_ =	swait.ge [sflag:s11], $0x2800  }
0x2f: {  	[sflag:s11] =	ssyncset.done $0x0  }
0x30: {  	[sflag:s11] =	ssyncadd.s32 $0xFFFFD800  }
0x31: {  	_ =	sfence.sel $0x180000  }
0x32: {  	[bflag:$0x0] =	sbarrier.arrive $0xFFFF  }
0x33: {  	p0 =	sne.s32 s1, $0x0;
	_ =	strace $0x90000047  }
0x34: {  	s0 =	sadd.s32 @!p0 $0x100000, s0;
	[bflag:$0x2] =	sbarrier.arrive $0xFFFF  }
0x35: {  	[sflag:s0] =	ssyncadd.tile.s32 @!p0 $0x1;
	_ =	shalt  }
.Lfunc_end2:
_tile_overlayer_lowered:
.L_overlay_start_2:
0x36: {  	(tag) =	ssettag $0x2  }
0x37: {  	s0 =	rddreg [dreg:$0x0];
	s2 =	stileid.u32  }
0x38: {  	s1 =	rddreg [dreg:$0x1];
	p0 =	sne.s32 s2, $0x0  }
0x39: {  	s3 =	rddreg [dreg:$0x2];
	[bflag:$0x3] =	sbarrier.arrive $0xFFFF;
	s2 =	simm.s32 @!p0 $0x1C01  }
0x3a: {  	[timem:s3], [sflag:s2] =	dma.local @!p0 [hbm:s0], s1  }
0x3b: {  	s0 =	simm.s32 @!p0 $0x1  }
0x3c: {  	_ =	swait.ge @!p0 [sflag:s0], s1  }
0x3d: {  	s1 =	ssub.s32 @!p0 $0x0, s1;
	[sflag:s0] =	ssyncset.done @!p0 $0x0  }
0x3e: {  	[sflag:s0] =	ssyncadd.s32 @!p0 s1  }
0x3f: {  	[bflag:$0x3] =	sbarrier.arrive $0xFFFF  }
0x40: {  	_ =	shalt  }

// kernel: kernel.13.cloned.1.call-start
scs
__scs_entry_jumppad:
0x0: {  	(pc) =	sbr.rel $0x88, $3  }
0x1: {  	(tag) =	ssettag $0x0;
	lr =	simm.s32 $0x1  }
0x2: {  	[smem:$0x3F97] =	sst lr;
	_ =	strace $0xD0000000  }
0x3: {  	_ = 	snop  }
0x4: {  	_ = 	snop  }
0x5: {  	_ = 	snop  }
0x6: {  	_ = 	snop  }
0x7: {  	_ = 	snop  }
__scs_overlays_trampoline_lowered:
0x8: {  	[smem:$0x3FA6] =	sst s0  }
0x9: {  	[smem:$0x3FA7] =	sst s1  }
0xa: {  	[smem:$0x3FA8] =	sst s2  }
0xb: {  	[smem:$0x3FA9] =	sst s3  }
0xc: {  	[smem:$0x3FAA] =	sst s4  }
0xd: {  	[smem:$0x3FAB] =	sst s5  }
0xe: {  	[smem:$0x3FAC] =	sst s6  }
0xf: {  	[smem:$0x3FAD] =	sst s7  }
0x10: {  	[smem:$0x3FAE] =	sst s8  }
0x11: {  	[smem:$0x3FAF] =	sst s9;
	s0 =	simm.s32 @!p0 $0x0  }
0x12: {  	s1 =	sld [smem:$0x3F95];
	s0 =	simm.s32 @p0 $0x1  }
0x13: {  	[smem:$0x3FB0] =	sst s0;
	s0 =	simm.s32 @!p1 $0x0  }
0x14: {  	s2 =	sld [smem:$0x3F94];
	s0 =	simm.s32 @p1 $0x1  }
0x15: {  	[smem:$0x3FB1] =	sst s0;
	s0 =	simm.s32 @!p2 $0x0  }
0x16: {  	s3 =	sld [smem:$0x3FDB];
	s0 =	simm.s32 @p2 $0x1  }
0x17: {  	s4 =	simm.s32 $0x1BF5;
	[smem:$0x3FB3] =	sst s0  }
0x18: {  	s0 =	sld [smem:$0x3F96];
	_ =	swait.ge [sflag:s4], $0x0  }
0x19: {  	s7 =	sld [smem:$0x3F97]  }
0x1a: {  	s8 =	sadd.s32 $0xFFFFE003, lr  }
0x1b: {  	s9 =	sadd.s32 $0xFFFFFEF7, lr;
	s5 =	simm.s32 $0xFFFFFFFF;
	p2 =	slt.u32 s8, $0xFFFFF086  }
0x1c: {  	p1 =	slt.u32 s9, $0xF7A;
	s5 =	simm.s32 @!p2 $0x0  }
0x1d: {  	s5 =	simm.s32 @p1 $0x1;
	p0 =	seq.s32 s7, s2  }
0x1e: {  	s7 =	smul.u32 @!p0 $0xF7A, s2;
	p2 =	seq.s32 @!p0 s5, $0x0  }
0x1f: {  	s9 =	smul.u32 $0xF7A, s1;
	s8 =	simm.s32 @!p0 $0x1BF5;
	p2 =	por !p2, p0  }
0x20: {  	[sflag:s8] =	ssyncset.s32 @!p0 $0xFFFFF086;
	s6 =	sadd.s32 @!p0 s3, s7;
	s7 =	simm.s32 @!p0 $0x108  }
0x21: {  	s3 =	sadd.s32 s3, s9;
	s6 =	sadd.s32 @!p0 $0x88, s6;
	s7 =	simm.s32 @p2 $0x1082  }
0x22: {  	[simem:s7], [sflag:s8] =	dma.local @!p0 [hbm:s6], $0xF7A  }
0x23: {  	s9 =	sor.u32 $0xD0000000, s2;
	s6 =	simm.s32 $0x108;
	_ =	swait.ge @!p0 [sflag:s8], $0x0  }
0x24: {  	s3 =	sadd.s32 $0x88, s3;
	s6 =	simm.s32 @!p1 $0x1082;
	[sflag:s4] =	ssyncset.s32 $0xFFFFF086  }
0x25: {  	[simem:s6], [sflag:s4] =	dma.local [hbm:s3], $0xF7A  }
0x26: {  	[smem:$0x3F97] =	sst s1;
	(tag) =	ssettag s2;
	_ =	strace s9  }
0x27: {  	s1 =	sld [smem:$0x3FA7]  }
0x28: {  	s2 =	sld [smem:$0x3FA8]  }
0x29: {  	s4 =	sld [smem:$0x3FAA]  }
0x2a: {  	p0 =	seq.s32 s5, $0x0;
	s5 =	sld [smem:$0x3FAB]  }
0x2b: {  	s6 =	sld [smem:$0x3FAC]  }
0x2c: {  	s7 =	sld [smem:$0x3FAD]  }
0x2d: {  	s3 =	simm.s32 $0x108;
	s8 =	sld [smem:$0x3FAE]  }
0x2e: {  	s3 =	simm.s32 @!p0 $0x1082;
	s9 =	sld [smem:$0x3FAF]  }
0x2f: {  	lr =	sadd.s32 s0, s3;
	s0 =	sld [smem:$0x3FA6]  }
0x30: {  	s3 =	sld [smem:$0x3FA9]  }
0x31: {  	[smem:$0x3FB2] =	sst s10  }
0x32: {  	s10 =	sld [smem:$0x3FB0];
	_ =	sdelay $0x3  }
0x33: {  	p0 =	seq.s32 s10, $0x1;
	s10 =	sld [smem:$0x3FB2];
	_ =	sdelay $0x3  }
0x34: {  	[smem:$0x3FB2] =	sst s10  }
0x35: {  	s10 =	sld [smem:$0x3FB1];
	_ =	sdelay $0x3  }
0x36: {  	p1 =	seq.s32 s10, $0x1;
	s10 =	sld [smem:$0x3FB2];
	_ =	sdelay $0x3  }
0x37: {  	[smem:$0x3FB2] =	sst s10  }
0x38: {  	s10 =	sld [smem:$0x3FB3]  }
0x39: {  	_ = 	snop;
	(pc) =	sbr.ind lr, $3  }
0x3a: {  	_ = 	snop  }
0x3b: {  	_ = 	snop  }
0x3c: {  	p2 =	seq.s32 s10, $0x1;
	s10 =	sld [smem:$0x3FB2]  }
0x3d: {  	_ =	shalt  }
0x3e: {  	_ =	shalt  }
0x3f: {  	_ =	shalt  }
0x40: {  	_ =	shalt  }
0x41: {  	_ =	shalt  }
0x42: {  	_ =	shalt  }
0x43: {  	_ =	shalt  }
0x44: {  	_ =	shalt  }
0x45: {  	_ =	shalt  }
0x46: {  	_ =	shalt  }
0x47: {  	_ =	shalt  }
0x48: {  	_ =	shalt  }
0x49: {  	_ =	shalt  }
0x4a: {  	_ =	shalt  }
0x4b: {  	_ =	shalt  }
0x4c: {  	_ =	shalt  }
0x4d: {  	_ =	shalt  }
0x4e: {  	_ =	shalt  }
0x4f: {  	_ =	shalt  }
0x50: {  	_ =	shalt  }
0x51: {  	_ =	shalt  }
0x52: {  	_ =	shalt  }
0x53: {  	_ =	shalt  }
0x54: {  	_ =	shalt  }
0x55: {  	_ =	shalt  }
0x56: {  	_ =	shalt  }
0x57: {  	_ =	shalt  }
0x58: {  	_ =	shalt  }
0x59: {  	_ =	shalt  }
0x5a: {  	_ =	shalt  }
0x5b: {  	_ =	shalt  }
0x5c: {  	_ =	shalt  }
0x5d: {  	_ =	shalt  }
0x5e: {  	_ =	shalt  }
0x5f: {  	_ =	shalt  }
0x60: {  	_ =	shalt  }
0x61: {  	_ =	shalt  }
0x62: {  	_ =	shalt  }
0x63: {  	_ =	shalt  }
0x64: {  	_ =	shalt  }
0x65: {  	_ =	shalt  }
0x66: {  	_ =	shalt  }
0x67: {  	_ =	shalt  }
0x68: {  	_ =	shalt  }
0x69: {  	_ =	shalt  }
0x6a: {  	_ =	shalt  }
0x6b: {  	_ =	shalt  }
0x6c: {  	_ =	shalt  }
0x6d: {  	_ =	shalt  }
0x6e: {  	_ =	shalt  }
0x6f: {  	_ =	shalt  }
0x70: {  	_ =	shalt  }
0x71: {  	_ =	shalt  }
0x72: {  	_ =	shalt  }
0x73: {  	_ =	shalt  }
0x74: {  	_ =	shalt  }
0x75: {  	_ =	shalt  }
0x76: {  	_ =	shalt  }
0x77: {  	_ =	shalt  }
0x78: {  	_ =	shalt  }
0x79: {  	_ =	shalt  }
0x7a: {  	_ =	shalt  }
0x7b: {  	_ =	shalt  }
0x7c: {  	_ =	shalt  }
0x7d: {  	_ =	shalt  }
0x7e: {  	_ =	shalt  }
0x7f: {  	_ =	shalt  }
0x80: {  	_ =	shalt  }
0x81: {  	_ =	shalt  }
0x82: {  	_ =	shalt  }
0x83: {  	_ =	shalt  }
0x84: {  	_ =	shalt  }
0x85: {  	_ =	shalt  }
0x86: {  	_ =	shalt  }
0x87: {  	_ =	shalt  }
.Lfunc_end0:
.L_simem_size_0:
called_computation.1_lowered:
.L_overlay_start_0:
0x88: {  	s2 =	sld [smem:$0x3FD9]  }
0x89: {  	s3 =	sld [smem:$0x3FFE];
	_ =	sdelay $0x1  }
0x8a: {  	s1 =	srdreg.scid  }
0x8b: {  	s0 =	sand.u32 $0x1, s1  }
0x8c: {  	s14 =	sshll.u32 s0, $0xA;
	s2 =	sadd.s32 s3, s2  }
0x8d: {  	s2 =	sadd.s32 s2, s14  }
0x8e: {  	[smem:$0x3FBE] =	sst s2  }
0x8f: {  	_ = 	snop  }
0x90: {  	s2 =	sld [smem:$0x3FD0];
	_ =	sdelay $0x2  }
0x91: {  	s15 =	simm.s32 $0xA;
	s4 =	simm.s32 $0x10  }
0x92: {  	[smem:s4], [sflag:s15] =	dma.local [hbm:s2], $0x1  }
0x93: {  	_ =	swait.eq [sflag:s15], $0x1  }
0x94: {  	[sflag:s15] =	ssyncset.done $0x0  }
0x95: {  	s16 =	sld [smem:$0x10];
	[sflag:s15] =	ssyncadd.s32 $0xFFFFFFFF  }
0x96: {  	s17 =	sld [smem:$0x11];
	(tm) =	ssettm $0x1  }
0x97: {  	s18 =	sld [smem:$0x3FFB];
	_ =	sdelay $0x3  }
0x98: {  	_ =	strace s18  }
0x99: {  	s4 =	sld [smem:$0x3FFC];
	_ =	sdelay $0x3  }
0x9a: {  	_ =	strace s4  }
0x9b: {  	s4 =	sld [smem:$0x3FFD];
	_ =	sdelay $0x3  }
0x9c: {  	_ =	strace s4  }
0x9d: {  	_ =	strace $0x8FFFFFFF  }
0x9e: {  	s19 =	sld [smem:$0x3FDB];
	_ =	sdelay $0x1  }
0x9f: {  	s5 =	simm.s32 $_scs_section_size  }
0xa0: {  	s6 =	simm.s32 $_size__tile_overlayer_lowered;
	s7 =	simm.s32 $_tile_overlayer_lowered  }
0xa1: {  	s22 =	simm.s32 $0x1BFF;
	s21 =	sshll.u32 s7, $0x1;
	s4 =	sadd.s32 s5, s19  }
0xa2: {  	s8 =	simm.s32 $0x0;
	s20 =	sshll.u32 s6, $0x1;
	s6 =	sadd.s32 s21, s4  }
0xa3: {  	[timem:s8], [sflag:s22] =	dma.local [hbm:s6], s20  }
0xa4: {  	_ =	swait.ge [sflag:s22], s20  }
0xa5: {  	s5 =	ssub.s32 $0x0, s20;
	[sflag:s22] =	ssyncset.done $0x0  }
0xa6: {  	[sflag:s22] =	ssyncadd.s32 s5;
	_ =	sdelay $0x1  }
0xa7: {  	s23 =	simm.s32 $0x1B8B  }
0xa8: {  	_ =	swait.ge [sflag:s23], $0x1  }
0xa9: {  	[sflag:s23] =	ssyncset.done $0x0  }
0xaa: {  	s25 =	simm.s32 $0x1B8E;
	s24 =	sld [smem:$0x3FFE];
	[sflag:s23] =	ssyncadd.s32 $0xFFFFFFFF  }
0xab: {  	s26 =	simm.s32 $execute0_lowered;
	[smem:$0x3FD2] =	sst s25  }
0xac: {  	s6 =	sshll.u32 s26, $0x1;
	_ =	strace $0x80000049;
	[dreg:$0x1] =	wrdreg $0xFFFFFFFF  }
0xad: {  	s28 =	simm.s32 $_size_execute0_lowered;
	s4 =	sadd.s32 s4, s6;
	[dreg:$0x0] =	wrdreg $0x0  }
0xae: {  	s6 =	sshll.u32 s28, $0x1;
	[dreg:$0x2] =	wrdreg s4  }
0xaf: {  	[dreg:$0x3] =	wrdreg s6  }
0xb0: {  	[dreg:$0x4] =	wrdreg $0xC0  }
0xb1: {  	_ =	task [dreg:s8], $0x5FFFF  }
0xb2: {  	[dreg:$0x1] =	wrdreg $0xFFFFFFFF  }
0xb3: {  	[dreg:$0x0] =	wrdreg $0x60  }
0xb4: {  	[dreg:$0x2] =	wrdreg s24  }
0xb5: {  	[dreg:$0x3] =	wrdreg s16  }
0xb6: {  	[dreg:$0x4] =	wrdreg s17  }
0xb7: {  	[dreg:$0x5] =	wrdreg $0x41800  }
0xb8: {  	[dreg:$0x6] =	wrdreg $0x9  }
0xb9: {  	_ =	task.clear_ibuf [dreg:s8], $0x7FFFF;
	_ =	strace $0x90000049  }
0xba: {  	s29 =	simm.s32 $0x9;
	_ =	strace $0x8000004B  }
0xbb: {  	_ =	swait.ge [sflag:s29], $0x1  }
0xbc: {  	[sflag:s29] =	ssyncadd.s32 $0xFFFFFFFF  }
0xbd: {  	_ =	strace $0x9000004B  }
0xbe: {  	_ =	sfence  }
0xbf: {  	s30 =	sld [smem:$0x0];
	_ =	sdelay $0x2  }
0xc0: {  	s31 =	sshll.u32 s1, $0xD;
	s1 =	sshrl.u32 s1, $0x2  }
0xc1: {  	s3 =	sand.u32 $0x4000, s31;
	s1 =	sadd.s32 s1, s30  }
0xc2: {  	s0 =	sor.u32 s3, s0;
	s1 =	sshll.u32 s1, $0x11  }
0xc3: {  	s0 =	sor.u32 s1, s0  }
0xc4: {  	s0 =	sadd.s32 $0x8F2B, s0  }
0xc5: {  	[sflag:s0] =	ssyncadd.remote.s32 $0x1  }
0xc6: {  	_ =	sfence.sel $0xFFFF  }
0xc7: {  	[dreg:$0x0] =	wrdreg $0xFFFFFFFF;
	(pc) =	sbr.abs _section_cstart, $3  }
0xc8: {  	[dreg:$0x1] =	wrdreg $0xFFFFFFFF  }
0xc9: {  	_ =	task.clear_ibuf [dreg:s8], $0x2FFFF;
	_ =	strace $0x9FFFFFFF  }
0xca: {  	(tm) =	ssettm $0x7FFFFFFF  }
0xcb: {  	_ =	shalt  }
tec
execute0_lowered:
.L_overlay_start_1:
0x0: {  	(tag) =	ssettag $0x1  }
0x1: {  	s5 =	rddreg [dreg:$0x0]  }
0x2: {  	s10 =	rddreg [dreg:$0x1]  }
0x3: {  	s11 =	rddreg [dreg:$0x2]  }
0x4: {  	s0 =	srdreg.scid;
	s2 =	rddreg [dreg:$0x3]  }
0x5: {  	s1 =	rddreg [dreg:$0x4];
	s6 =	sand.u32 $0x1, s0  }
0x6: {  	s0 =	stileid.u32;
	s4 =	smul.u32 $0x140000, s6  }
0x7: {  	s3 =	simm.s32 $0x0;
	s14 =	simm.s32 $0x100;
	s7 =	smul.u32 $0x14000, s0  }
0x8: {  	s15 =	simm.s32 $0x80;
	s17 =	simm.s32 $0x1;
	s16 =	smul.u32 $0x2800, s6  }
0x9: {  	s18 =	simm.s32 $0x0;
	[smem:$0x7FF] =	sst s3;
	s26 =	smul.u32 $0x50000, s0  }
0xa: {  	_ =	strace $0x8000004A;
	s9 =	smul.u32 $0x280, s0;
	s28 =	ssub.s32 $0x2, s6  }
0xb: {  	s30 =	sshll.u32 s0, $0x6;
	p0 =	slt.u32 s0, $0x4;
	s31 =	sshll.u32 s0, $0x4  }
0xc: {  	s6 =	sshrl.u32 s28, $0x1;
	s10 =	sadd.s32 s31, s10;
	s11 =	sadd.s32 s31, s11  }
0xd: {  	s4 =	sadd.s32 s7, s4;
	s7 =	sshrl.u32 s26, $0x2;
	s9 =	sadd.s32 s9, s16  }
0xe: {  	s12 =	ssub.s32 s28, s6;
	v0 =	vmov s16;
	s16 =	simm.s32 $0x180;
	s8 =	sshrl.u32 s4, $0x3  }
0xf: {  	s4 =	sadd.s32 $0x7C000, s5;
	s13 =	sadd.s32 s7, s2;
	s29 =	sshll.u32 s9, $0x4  }
0x10: {  	s7 =	sor.u32 $0x1C02, s30;
	s9 =	smax.u32 s12, $0x1;
	s8 =	sadd.s32 s8, s5  }
0x11: {  	s5 =	simm.s32 $0x9D;
	s6 =	sadd.s32 s4, s29;
	s12 =	sshrl.u32 s13, $0x3  }
0x12: {  	s13 =	simm.s32 $0x2;
	s5 =	simm.s32 @!p0 $0x9C;
	s8 =	sadd.s32 $0xCC000, s8  }
.LBB2_1:
0x13: {  	[spmem:s12], [sflag:s7] =	dma.local [hbm:s6], $0x2800  }
0x14: {  	_ =	swait.ge [sflag:s13], $0x2800  }
0x15: {  	[sflag:s13] =	ssyncset.done $0x0  }
0x16: {  	[sflag:s13] =	ssyncadd.s32 $0xFFFFD800  }
0x17: {  	[bflag:$0x0] =	sbarrier.arrive $0xFFFF  }
0x18: {  	[tilespmem:s14], [sflag:$0x2] =	stream.linear.gather [hbm4b:s11+s3], $0x80, $0x38;
	[tilespmem:$0x18180] =	vst v63  }
0x19: {  	_ =	swait.ge [sflag:s13], $0x80  }
0x1a: {  	[sflag:s13] =	ssyncset.done $0x0  }
0x1b: {  	[sflag:s13] =	ssyncadd.s32 $0xFFFFFF80  }
0x1c: {  	[tilespmem:s3], [sflag:$0x2] =	stream.linear.gather [hbm4b:s10+s3], $0x80, $0x38;
	[tilespmem:$0x18180] =	vst v63  }
0x1d: {  	_ =	swait.ge [sflag:s13], $0x80  }
0x1e: {  	[sflag:s13] =	ssyncset.done $0x0  }
0x1f: {  	[sflag:s13] =	ssyncadd.s32 $0xFFFFFF80  }
0x20: {  	v1 =	vld [tilespmem:$0x70]  }
0x21: {  	v2 =	vld [tilespmem:$0x60]  }
0x22: {  	v3 =	vld [tilespmem:$0x50]  }
0x23: {  	v4 =	vld [tilespmem:$0x30]  }
0x24: {  	v5 =	vld [tilespmem:$0x20]  }
0x25: {  	v6 =	vld [tilespmem:$0x10];
	v1 =	vadd.s32 v0, v1  }
0x26: {  	v7 =	vld [tilespmem:$0x40];
	v2 =	vadd.s32 v0, v2;
	[tilespmem:$0xF0] =	vst v1  }
0x27: {  	v3 =	vadd.s32 v0, v3;
	v1 =	vld [tilespmem:$0x0];
	[tilespmem:$0xE0] =	vst v2  }
0x28: {  	p0 =	sne.s32 s5, $0x1;
	v2 =	vadd.s32 v0, v4;
	[tilespmem:$0xD0] =	vst v3  }
.Ltmp0:
0x29: {  	v3 =	vadd.s32 v0, v5;
	[tilespmem:$0xB0] =	vst v2;
	(pc) =	sbr.rel @!p0 .LBB2_3-.Ltmp0, $4  }
0x2a: {  	v2 =	vadd.s32 v0, v6;
	[tilespmem:$0xA0] =	vst v3  }
0x2b: {  	[tilespmem:$0x90] =	vst v2;
	v2 =	vadd.s32 v0, v7  }
0x2c: {  	[tilespmem:$0xC0] =	vst v2;
	v1 =	vadd.s32 v0, v1  }
0x2d: {  	s19 =	sadd.s32 $0xFFFFFFFF, s5;
	s20 =	sadd.s32 $0x100, s10;
	s21 =	sadd.s32 $0x100, s11;
	[tilespmem:$0x80] =	vst v1  }
.LBB2_2:
0x2e: {  	[tilespmem:s16], [sflag:$0x1] =	stream.indirect.gather [hbm4b:s4+s15], $0x80, s15, s15, $0xb8;
	[tilespmem:$0x18180] =	vst v63  }
0x2f: {  	p0 =	sne.s32 s19, $0x1;
	s19 =	sadd.s32 $0xFFFFFFFF, s19;
	_ =	swait.ge [sflag:s17], $0x4000  }
0x30: {  	[sflag:s17] =	ssyncset.done $0x0  }
0x31: {  	[sflag:s17] =	ssyncadd.s32 $0xFFFFC000  }
0x32: {  	[spmem:s2] =	stream.indirect.scatter.add.f32 [tilespmem:s16], [sflag:$0x2], $0x80, s14, s15, $0xb8;
	[tilespmem:$0x18180] =	vst v63  }
0x33: {  	_ =	swait.ge [sflag:s13], $0x4000  }
0x34: {  	[sflag:s13] =	ssyncset.done $0x0  }
0x35: {  	[sflag:s13] =	ssyncadd.s32 $0xFFFFC000  }
0x36: {  	[tilespmem:s14], [sflag:$0x2] =	stream.linear.gather [hbm4b:s21+s3], $0x80, $0x38;
	[tilespmem:$0x18180] =	vst v63  }
0x37: {  	_ =	swait.ge [sflag:s13], $0x80  }
0x38: {  	[sflag:s13] =	ssyncset.done $0x0  }
0x39: {  	[sflag:s13] =	ssyncadd.s32 $0xFFFFFF80  }
0x3a: {  	[tilespmem:s3], [sflag:$0x2] =	stream.linear.gather [hbm4b:s20+s3], $0x80, $0x38;
	[tilespmem:$0x18180] =	vst v63  }
0x3b: {  	_ =	swait.ge [sflag:s13], $0x80  }
0x3c: {  	[sflag:s13] =	ssyncset.done $0x0  }
0x3d: {  	[sflag:s13] =	ssyncadd.s32 $0xFFFFFF80  }
0x3e: {  	v1 =	vld [tilespmem:$0x70]  }
0x3f: {  	v2 =	vld [tilespmem:$0x60]  }
0x40: {  	v3 =	vld [tilespmem:$0x50]  }
0x41: {  	v4 =	vld [tilespmem:$0x30]  }
0x42: {  	v5 =	vld [tilespmem:$0x20]  }
0x43: {  	v6 =	vld [tilespmem:$0x10];
	v1 =	vadd.s32 v0, v1  }
0x44: {  	v7 =	vld [tilespmem:$0x40];
	v2 =	vadd.s32 v0, v2;
	[tilespmem:$0xF0] =	vst v1  }
0x45: {  	v1 =	vld [tilespmem:$0x0];
	v3 =	vadd.s32 v0, v3;
	[tilespmem:$0xE0] =	vst v2  }
0x46: {  	v2 =	vadd.s32 v0, v4;
	[tilespmem:$0xD0] =	vst v3  }
.Ltmp1:
0x47: {  	v3 =	vadd.s32 v0, v5;
	[tilespmem:$0xB0] =	vst v2;
	(pc) =	sbr.rel @p0 .LBB2_2-.Ltmp1, $4  }
0x48: {  	v2 =	vadd.s32 v0, v6;
	[tilespmem:$0xA0] =	vst v3  }
0x49: {  	[tilespmem:$0x90] =	vst v2;
	v2 =	vadd.s32 v0, v7  }
0x4a: {  	v1 =	vadd.s32 v0, v1;
	[tilespmem:$0xC0] =	vst v2  }
0x4b: {  	s21 =	sadd.s32 $0x100, s21;
	s20 =	sadd.s32 $0x100, s20;
	[tilespmem:$0x80] =	vst v1  }
.LBB2_3:
0x4c: {  	[tilespmem:s16], [sflag:$0x1] =	stream.indirect.gather [hbm4b:s4+s15], $0x80, s15, s15, $0xb8;
	[tilespmem:$0x18180] =	vst v63  }
0x4d: {  	_ =	swait.ge [sflag:s17], $0x4000  }
0x4e: {  	[sflag:s17] =	ssyncset.done $0x0  }
0x4f: {  	[sflag:s17] =	ssyncadd.s32 $0xFFFFC000  }
0x50: {  	[spmem:s2] =	stream.indirect.scatter.add.f32 [tilespmem:s16], [sflag:$0x2], $0x80, s14, s15, $0xb8;
	[tilespmem:$0x18180] =	vst v63  }
0x51: {  	_ =	swait.ge [sflag:s13], $0x4000  }
0x52: {  	s18 =	sadd.s32 $0x1, s18;
	[sflag:s13] =	ssyncset.done $0x0  }
0x53: {  	p0 =	sne.s32 s18, s9;
	[sflag:s13] =	ssyncadd.s32 $0xFFFFC000  }
.Ltmp2:
0x54: {  	[bflag:$0x0] =	sbarrier.arrive $0xFFFF;
	(pc) =	sbr.rel @p0 .LBB2_1-.Ltmp2, $4  }
0x55: {  	[hbm:s8], [sflag:s7] =	dma.local [spmem:s12], $0x2800  }
0x56: {  	_ =	swait.ge [sflag:s13], $0x2800  }
0x57: {  	[sflag:s13] =	ssyncset.done $0x0  }
0x58: {  	[sflag:s13] =	ssyncadd.s32 $0xFFFFD800  }
0x59: {  	_ =	sfence.sel $0x180000  }
0x5a: {  	[bflag:$0x0] =	sbarrier.arrive $0xFFFF  }
0x5b: {  	p0 =	sne.s32 s0, $0x0;
	_ =	strace $0x9000004A  }
0x5c: {  	s0 =	sadd.s32 @!p0 $0x100000, s1;
	[bflag:$0x2] =	sbarrier.arrive $0xFFFF  }
0x5d: {  	[sflag:s0] =	ssyncadd.tile.s32 @!p0 $0x1;
	_ =	shalt  }
.Lfunc_end2:
_tile_overlayer_lowered:
.L_overlay_start_2:
0x5e: {  	(tag) =	ssettag $0x2  }
0x5f: {  	s0 =	rddreg [dreg:$0x0];
	s2 =	stileid.u32  }
0x60: {  	s1 =	rddreg [dreg:$0x1];
	p0 =	sne.s32 s2, $0x0  }
0x61: {  	s3 =	rddreg [dreg:$0x2];
	[bflag:$0x3] =	sbarrier.arrive $0xFFFF;
	s2 =	simm.s32 @!p0 $0x1C02  }
0x62: {  	[timem:s3], [sflag:s2] =	dma.local @!p0 [hbm:s0], s1  }
0x63: {  	s0 =	simm.s32 @!p0 $0x2  }
0x64: {  	_ =	swait.ge @!p0 [sflag:s0], s1  }
0x65: {  	s1 =	ssub.s32 @!p0 $0x0, s1;
	[sflag:s0] =	ssyncset.done @!p0 $0x0  }
0x66: {  	[sflag:s0] =	ssyncadd.s32 @!p0 s1  }
0x67: {  	[bflag:$0x3] =	sbarrier.arrive $0xFFFF  }
0x68: {  	_ =	shalt  }

// kernel: kernel.16.cloned.1.call-start
scs
__scs_entry_jumppad:
0x0: {  	(pc) =	sbr.rel $0x88, $3  }
0x1: {  	(tag) =	ssettag $0x0;
	lr =	simm.s32 $0x1  }
0x2: {  	[smem:$0x3F97] =	sst lr;
	_ =	strace $0xD0000000  }
0x3: {  	_ = 	snop  }
0x4: {  	_ = 	snop  }
0x5: {  	_ = 	snop  }
0x6: {  	_ = 	snop  }
0x7: {  	_ = 	snop  }
__scs_overlays_trampoline_lowered:
0x8: {  	[smem:$0x3FA6] =	sst s0  }
0x9: {  	[smem:$0x3FA7] =	sst s1  }
0xa: {  	[smem:$0x3FA8] =	sst s2  }
0xb: {  	[smem:$0x3FA9] =	sst s3  }
0xc: {  	[smem:$0x3FAA] =	sst s4  }
0xd: {  	[smem:$0x3FAB] =	sst s5  }
0xe: {  	[smem:$0x3FAC] =	sst s6  }
0xf: {  	[smem:$0x3FAD] =	sst s7  }
0x10: {  	[smem:$0x3FAE] =	sst s8  }
0x11: {  	[smem:$0x3FAF] =	sst s9;
	s0 =	simm.s32 @!p0 $0x0  }
0x12: {  	s1 =	sld [smem:$0x3F95];
	s0 =	simm.s32 @p0 $0x1  }
0x13: {  	[smem:$0x3FB0] =	sst s0;
	s0 =	simm.s32 @!p1 $0x0  }
0x14: {  	s2 =	sld [smem:$0x3F94];
	s0 =	simm.s32 @p1 $0x1  }
0x15: {  	[smem:$0x3FB1] =	sst s0;
	s0 =	simm.s32 @!p2 $0x0  }
0x16: {  	s3 =	sld [smem:$0x3FDB];
	s0 =	simm.s32 @p2 $0x1  }
0x17: {  	s4 =	simm.s32 $0x1BF5;
	[smem:$0x3FB3] =	sst s0  }
0x18: {  	s0 =	sld [smem:$0x3F96];
	_ =	swait.ge [sflag:s4], $0x0  }
0x19: {  	s7 =	sld [smem:$0x3F97]  }
0x1a: {  	s8 =	sadd.s32 $0xFFFFE003, lr  }
0x1b: {  	s9 =	sadd.s32 $0xFFFFFEF7, lr;
	s5 =	simm.s32 $0xFFFFFFFF;
	p2 =	slt.u32 s8, $0xFFFFF086  }
0x1c: {  	p1 =	slt.u32 s9, $0xF7A;
	s5 =	simm.s32 @!p2 $0x0  }
0x1d: {  	s5 =	simm.s32 @p1 $0x1;
	p0 =	seq.s32 s7, s2  }
0x1e: {  	s7 =	smul.u32 @!p0 $0xF7A, s2;
	p2 =	seq.s32 @!p0 s5, $0x0  }
0x1f: {  	s9 =	smul.u32 $0xF7A, s1;
	s8 =	simm.s32 @!p0 $0x1BF5;
	p2 =	por !p2, p0  }
0x20: {  	[sflag:s8] =	ssyncset.s32 @!p0 $0xFFFFF086;
	s6 =	sadd.s32 @!p0 s3, s7;
	s7 =	simm.s32 @!p0 $0x108  }
0x21: {  	s3 =	sadd.s32 s3, s9;
	s6 =	sadd.s32 @!p0 $0x88, s6;
	s7 =	simm.s32 @p2 $0x1082  }
0x22: {  	[simem:s7], [sflag:s8] =	dma.local @!p0 [hbm:s6], $0xF7A  }
0x23: {  	s9 =	sor.u32 $0xD0000000, s2;
	s6 =	simm.s32 $0x108;
	_ =	swait.ge @!p0 [sflag:s8], $0x0  }
0x24: {  	s3 =	sadd.s32 $0x88, s3;
	s6 =	simm.s32 @!p1 $0x1082;
	[sflag:s4] =	ssyncset.s32 $0xFFFFF086  }
0x25: {  	[simem:s6], [sflag:s4] =	dma.local [hbm:s3], $0xF7A  }
0x26: {  	[smem:$0x3F97] =	sst s1;
	(tag) =	ssettag s2;
	_ =	strace s9  }
0x27: {  	s1 =	sld [smem:$0x3FA7]  }
0x28: {  	s2 =	sld [smem:$0x3FA8]  }
0x29: {  	s4 =	sld [smem:$0x3FAA]  }
0x2a: {  	p0 =	seq.s32 s5, $0x0;
	s5 =	sld [smem:$0x3FAB]  }
0x2b: {  	s6 =	sld [smem:$0x3FAC]  }
0x2c: {  	s7 =	sld [smem:$0x3FAD]  }
0x2d: {  	s3 =	simm.s32 $0x108;
	s8 =	sld [smem:$0x3FAE]  }
0x2e: {  	s3 =	simm.s32 @!p0 $0x1082;
	s9 =	sld [smem:$0x3FAF]  }
0x2f: {  	lr =	sadd.s32 s0, s3;
	s0 =	sld [smem:$0x3FA6]  }
0x30: {  	s3 =	sld [smem:$0x3FA9]  }
0x31: {  	[smem:$0x3FB2] =	sst s10  }
0x32: {  	s10 =	sld [smem:$0x3FB0];
	_ =	sdelay $0x3  }
0x33: {  	p0 =	seq.s32 s10, $0x1;
	s10 =	sld [smem:$0x3FB2];
	_ =	sdelay $0x3  }
0x34: {  	[smem:$0x3FB2] =	sst s10  }
0x35: {  	s10 =	sld [smem:$0x3FB1];
	_ =	sdelay $0x3  }
0x36: {  	p1 =	seq.s32 s10, $0x1;
	s10 =	sld [smem:$0x3FB2];
	_ =	sdelay $0x3  }
0x37: {  	[smem:$0x3FB2] =	sst s10  }
0x38: {  	s10 =	sld [smem:$0x3FB3]  }
0x39: {  	_ = 	snop;
	(pc) =	sbr.ind lr, $3  }
0x3a: {  	_ = 	snop  }
0x3b: {  	_ = 	snop  }
0x3c: {  	p2 =	seq.s32 s10, $0x1;
	s10 =	sld [smem:$0x3FB2]  }
0x3d: {  	_ =	shalt  }
0x3e: {  	_ =	shalt  }
0x3f: {  	_ =	shalt  }
0x40: {  	_ =	shalt  }
0x41: {  	_ =	shalt  }
0x42: {  	_ =	shalt  }
0x43: {  	_ =	shalt  }
0x44: {  	_ =	shalt  }
0x45: {  	_ =	shalt  }
0x46: {  	_ =	shalt  }
0x47: {  	_ =	shalt  }
0x48: {  	_ =	shalt  }
0x49: {  	_ =	shalt  }
0x4a: {  	_ =	shalt  }
0x4b: {  	_ =	shalt  }
0x4c: {  	_ =	shalt  }
0x4d: {  	_ =	shalt  }
0x4e: {  	_ =	shalt  }
0x4f: {  	_ =	shalt  }
0x50: {  	_ =	shalt  }
0x51: {  	_ =	shalt  }
0x52: {  	_ =	shalt  }
0x53: {  	_ =	shalt  }
0x54: {  	_ =	shalt  }
0x55: {  	_ =	shalt  }
0x56: {  	_ =	shalt  }
0x57: {  	_ =	shalt  }
0x58: {  	_ =	shalt  }
0x59: {  	_ =	shalt  }
0x5a: {  	_ =	shalt  }
0x5b: {  	_ =	shalt  }
0x5c: {  	_ =	shalt  }
0x5d: {  	_ =	shalt  }
0x5e: {  	_ =	shalt  }
0x5f: {  	_ =	shalt  }
0x60: {  	_ =	shalt  }
0x61: {  	_ =	shalt  }
0x62: {  	_ =	shalt  }
0x63: {  	_ =	shalt  }
0x64: {  	_ =	shalt  }
0x65: {  	_ =	shalt  }
0x66: {  	_ =	shalt  }
0x67: {  	_ =	shalt  }
0x68: {  	_ =	shalt  }
0x69: {  	_ =	shalt  }
0x6a: {  	_ =	shalt  }
0x6b: {  	_ =	shalt  }
0x6c: {  	_ =	shalt  }
0x6d: {  	_ =	shalt  }
0x6e: {  	_ =	shalt  }
0x6f: {  	_ =	shalt  }
0x70: {  	_ =	shalt  }
0x71: {  	_ =	shalt  }
0x72: {  	_ =	shalt  }
0x73: {  	_ =	shalt  }
0x74: {  	_ =	shalt  }
0x75: {  	_ =	shalt  }
0x76: {  	_ =	shalt  }
0x77: {  	_ =	shalt  }
0x78: {  	_ =	shalt  }
0x79: {  	_ =	shalt  }
0x7a: {  	_ =	shalt  }
0x7b: {  	_ =	shalt  }
0x7c: {  	_ =	shalt  }
0x7d: {  	_ =	shalt  }
0x7e: {  	_ =	shalt  }
0x7f: {  	_ =	shalt  }
0x80: {  	_ =	shalt  }
0x81: {  	_ =	shalt  }
0x82: {  	_ =	shalt  }
0x83: {  	_ =	shalt  }
0x84: {  	_ =	shalt  }
0x85: {  	_ =	shalt  }
0x86: {  	_ =	shalt  }
0x87: {  	_ =	shalt  }
.Lfunc_end0:
.L_simem_size_0:
called_computation.2_lowered:
.L_overlay_start_0:
0x88: {  	s2 =	sld [smem:$0x3FD9]  }
0x89: {  	s3 =	sld [smem:$0x3FFE];
	_ =	sdelay $0x1  }
0x8a: {  	s1 =	srdreg.scid  }
0x8b: {  	s0 =	sand.u32 $0x1, s1  }
0x8c: {  	s14 =	sshll.u32 s0, $0xA;
	s2 =	sadd.s32 s3, s2  }
0x8d: {  	s2 =	sadd.s32 s2, s14  }
0x8e: {  	[smem:$0x3FBE] =	sst s2  }
0x8f: {  	_ = 	snop  }
0x90: {  	s2 =	sld [smem:$0x3FD0];
	_ =	sdelay $0x2  }
0x91: {  	s15 =	simm.s32 $0xA;
	s4 =	simm.s32 $0x10  }
0x92: {  	[smem:s4], [sflag:s15] =	dma.local [hbm:s2], $0x1  }
0x93: {  	_ =	swait.eq [sflag:s15], $0x1  }
0x94: {  	[sflag:s15] =	ssyncset.done $0x0  }
0x95: {  	s16 =	sld [smem:$0x10];
	[sflag:s15] =	ssyncadd.s32 $0xFFFFFFFF  }
0x96: {  	s17 =	sld [smem:$0x11];
	(tm) =	ssettm $0x1  }
0x97: {  	s18 =	sld [smem:$0x3FFB];
	_ =	sdelay $0x3  }
0x98: {  	_ =	strace s18  }
0x99: {  	s4 =	sld [smem:$0x3FFC];
	_ =	sdelay $0x3  }
0x9a: {  	_ =	strace s4  }
0x9b: {  	s4 =	sld [smem:$0x3FFD];
	_ =	sdelay $0x3  }
0x9c: {  	_ =	strace s4  }
0x9d: {  	_ =	strace $0x8FFFFFFF  }
0x9e: {  	s19 =	sld [smem:$0x3FDB];
	_ =	sdelay $0x1  }
0x9f: {  	s5 =	simm.s32 $_scs_section_size  }
0xa0: {  	s6 =	simm.s32 $_size__tile_overlayer_lowered;
	s7 =	simm.s32 $_tile_overlayer_lowered  }
0xa1: {  	s22 =	simm.s32 $0x1BFF;
	s21 =	sshll.u32 s7, $0x1;
	s4 =	sadd.s32 s5, s19  }
0xa2: {  	s8 =	simm.s32 $0x0;
	s20 =	sshll.u32 s6, $0x1;
	s6 =	sadd.s32 s21, s4  }
0xa3: {  	[timem:s8], [sflag:s22] =	dma.local [hbm:s6], s20  }
0xa4: {  	_ =	swait.ge [sflag:s22], s20  }
0xa5: {  	s5 =	ssub.s32 $0x0, s20;
	[sflag:s22] =	ssyncset.done $0x0  }
0xa6: {  	[sflag:s22] =	ssyncadd.s32 s5;
	_ =	sdelay $0x1  }
0xa7: {  	s23 =	simm.s32 $0x1B8B  }
0xa8: {  	_ =	swait.ge [sflag:s23], $0x1  }
0xa9: {  	[sflag:s23] =	ssyncset.done $0x0  }
0xaa: {  	s25 =	simm.s32 $0x1B8E;
	s24 =	sld [smem:$0x3FFE];
	[sflag:s23] =	ssyncadd.s32 $0xFFFFFFFF  }
0xab: {  	s26 =	simm.s32 $execute0_lowered;
	[smem:$0x3FD2] =	sst s25  }
0xac: {  	s6 =	sshll.u32 s26, $0x1;
	_ =	strace $0x8000004C;
	[dreg:$0x1] =	wrdreg $0xFFFFFFFF  }
0xad: {  	s28 =	simm.s32 $_size_execute0_lowered;
	s4 =	sadd.s32 s4, s6;
	[dreg:$0x0] =	wrdreg $0x0  }
0xae: {  	s6 =	sshll.u32 s28, $0x1;
	[dreg:$0x2] =	wrdreg s4  }
0xaf: {  	[dreg:$0x3] =	wrdreg s6  }
0xb0: {  	[dreg:$0x4] =	wrdreg $0xC0  }
0xb1: {  	_ =	task [dreg:s8], $0x5FFFF  }
0xb2: {  	[dreg:$0x1] =	wrdreg $0xFFFFFFFF  }
0xb3: {  	[dreg:$0x0] =	wrdreg $0x60  }
0xb4: {  	[dreg:$0x2] =	wrdreg s24  }
0xb5: {  	[dreg:$0x3] =	wrdreg s16  }
0xb6: {  	[dreg:$0x4] =	wrdreg s17  }
0xb7: {  	[dreg:$0x5] =	wrdreg $0x41800  }
0xb8: {  	[dreg:$0x6] =	wrdreg $0x9  }
0xb9: {  	_ =	task.clear_ibuf [dreg:s8], $0x7FFFF;
	_ =	strace $0x9000004C  }
0xba: {  	s29 =	simm.s32 $0x9;
	_ =	strace $0x8000004E  }
0xbb: {  	_ =	swait.ge [sflag:s29], $0x1  }
0xbc: {  	[sflag:s29] =	ssyncadd.s32 $0xFFFFFFFF  }
0xbd: {  	_ =	strace $0x9000004E  }
0xbe: {  	_ =	sfence  }
0xbf: {  	s30 =	sld [smem:$0x0];
	_ =	sdelay $0x2  }
0xc0: {  	s31 =	sshll.u32 s1, $0xD;
	s1 =	sshrl.u32 s1, $0x2  }
0xc1: {  	s3 =	sand.u32 $0x4000, s31;
	s1 =	sadd.s32 s1, s30  }
0xc2: {  	s0 =	sor.u32 s3, s0;
	s1 =	sshll.u32 s1, $0x11  }
0xc3: {  	s0 =	sor.u32 s1, s0  }
0xc4: {  	s0 =	sadd.s32 $0x8F2B, s0  }
0xc5: {  	[sflag:s0] =	ssyncadd.remote.s32 $0x1  }
0xc6: {  	_ =	sfence.sel $0xFFFF  }
0xc7: {  	[dreg:$0x0] =	wrdreg $0xFFFFFFFF;
	(pc) =	sbr.abs _section_cstart, $3  }
0xc8: {  	[dreg:$0x1] =	wrdreg $0xFFFFFFFF  }
0xc9: {  	_ =	task.clear_ibuf [dreg:s8], $0x2FFFF;
	_ =	strace $0x9FFFFFFF  }
0xca: {  	(tm) =	ssettm $0x7FFFFFFF  }
0xcb: {  	_ =	shalt  }
tec
execute0_lowered:
.L_overlay_start_1:
0x0: {  	(tag) =	ssettag $0x1  }
0x1: {  	s5 =	rddreg [dreg:$0x0]  }
0x2: {  	s10 =	rddreg [dreg:$0x1]  }
0x3: {  	s11 =	rddreg [dreg:$0x2]  }
0x4: {  	s0 =	srdreg.scid;
	s2 =	rddreg [dreg:$0x3]  }
0x5: {  	s1 =	rddreg [dreg:$0x4];
	s6 =	sand.u32 $0x1, s0  }
0x6: {  	s0 =	stileid.u32;
	s4 =	smul.u32 $0x140000, s6  }
0x7: {  	s3 =	simm.s32 $0x0;
	s14 =	simm.s32 $0x100;
	s7 =	smul.u32 $0x14000, s0  }
0x8: {  	s15 =	simm.s32 $0x80;
	s17 =	simm.s32 $0x1;
	s16 =	smul.u32 $0x2800, s6  }
0x9: {  	s18 =	simm.s32 $0x0;
	[smem:$0x7FF] =	sst s3;
	s26 =	smul.u32 $0x50000, s0  }
0xa: {  	_ =	strace $0x8000004D;
	s9 =	smul.u32 $0x280, s0;
	s28 =	ssub.s32 $0x2, s6  }
0xb: {  	s30 =	sshll.u32 s0, $0x6;
	p0 =	slt.u32 s0, $0x4;
	s31 =	sshll.u32 s0, $0x4  }
0xc: {  	s6 =	sshrl.u32 s28, $0x1;
	s10 =	sadd.s32 s31, s10;
	s11 =	sadd.s32 s31, s11  }
0xd: {  	s4 =	sadd.s32 s7, s4;
	s7 =	sshrl.u32 s26, $0x2;
	s9 =	sadd.s32 s9, s16  }
0xe: {  	s12 =	ssub.s32 s28, s6;
	v0 =	vmov s16;
	s16 =	simm.s32 $0x180;
	s8 =	sshrl.u32 s4, $0x3  }
0xf: {  	s4 =	sadd.s32 $0x7C000, s5;
	s13 =	sadd.s32 s7, s2;
	s29 =	sshll.u32 s9, $0x4  }
0x10: {  	s7 =	sor.u32 $0x1C02, s30;
	s9 =	smax.u32 s12, $0x1;
	s8 =	sadd.s32 s8, s5  }
0x11: {  	s5 =	simm.s32 $0x9D;
	s6 =	sadd.s32 s4, s29;
	s12 =	sshrl.u32 s13, $0x3  }
0x12: {  	s13 =	simm.s32 $0x2;
	s5 =	simm.s32 @!p0 $0x9C;
	s8 =	sadd.s32 $0xCC000, s8  }
.LBB2_1:
0x13: {  	[spmem:s12], [sflag:s7] =	dma.local [hbm:s6], $0x2800  }
0x14: {  	_ =	swait.ge [sflag:s13], $0x2800  }
0x15: {  	[sflag:s13] =	ssyncset.done $0x0  }
0x16: {  	[sflag:s13] =	ssyncadd.s32 $0xFFFFD800  }
0x17: {  	[bflag:$0x0] =	sbarrier.arrive $0xFFFF  }
0x18: {  	[tilespmem:s14], [sflag:$0x2] =	stream.linear.gather [hbm4b:s11+s3], $0x80, $0x38;
	[tilespmem:$0x18180] =	vst v63  }
0x19: {  	_ =	swait.ge [sflag:s13], $0x80  }
0x1a: {  	[sflag:s13] =	ssyncset.done $0x0  }
0x1b: {  	[sflag:s13] =	ssyncadd.s32 $0xFFFFFF80  }
0x1c: {  	[tilespmem:s3], [sflag:$0x2] =	stream.linear.gather [hbm4b:s10+s3], $0x80, $0x38;
	[tilespmem:$0x18180] =	vst v63  }
0x1d: {  	_ =	swait.ge [sflag:s13], $0x80  }
0x1e: {  	[sflag:s13] =	ssyncset.done $0x0  }
0x1f: {  	[sflag:s13] =	ssyncadd.s32 $0xFFFFFF80  }
0x20: {  	v1 =	vld [tilespmem:$0x70]  }
0x21: {  	v2 =	vld [tilespmem:$0x60]  }
0x22: {  	v3 =	vld [tilespmem:$0x50]  }
0x23: {  	v4 =	vld [tilespmem:$0x30]  }
0x24: {  	v5 =	vld [tilespmem:$0x20]  }
0x25: {  	v6 =	vld [tilespmem:$0x10];
	v1 =	vadd.s32 v0, v1  }
0x26: {  	v7 =	vld [tilespmem:$0x40];
	v2 =	vadd.s32 v0, v2;
	[tilespmem:$0xF0] =	vst v1  }
0x27: {  	v3 =	vadd.s32 v0, v3;
	v1 =	vld [tilespmem:$0x0];
	[tilespmem:$0xE0] =	vst v2  }
0x28: {  	p0 =	sne.s32 s5, $0x1;
	v2 =	vadd.s32 v0, v4;
	[tilespmem:$0xD0] =	vst v3  }
.Ltmp0:
0x29: {  	v3 =	vadd.s32 v0, v5;
	[tilespmem:$0xB0] =	vst v2;
	(pc) =	sbr.rel @!p0 .LBB2_3-.Ltmp0, $4  }
0x2a: {  	v2 =	vadd.s32 v0, v6;
	[tilespmem:$0xA0] =	vst v3  }
0x2b: {  	[tilespmem:$0x90] =	vst v2;
	v2 =	vadd.s32 v0, v7  }
0x2c: {  	[tilespmem:$0xC0] =	vst v2;
	v1 =	vadd.s32 v0, v1  }
0x2d: {  	s19 =	sadd.s32 $0xFFFFFFFF, s5;
	s20 =	sadd.s32 $0x100, s10;
	s21 =	sadd.s32 $0x100, s11;
	[tilespmem:$0x80] =	vst v1  }
.LBB2_2:
0x2e: {  	[tilespmem:s16], [sflag:$0x1] =	stream.indirect.gather [hbm4b:s4+s15], $0x80, s15, s15, $0xb8;
	[tilespmem:$0x18180] =	vst v63  }
0x2f: {  	p0 =	sne.s32 s19, $0x1;
	s19 =	sadd.s32 $0xFFFFFFFF, s19;
	_ =	swait.ge [sflag:s17], $0x4000  }
0x30: {  	[sflag:s17] =	ssyncset.done $0x0  }
0x31: {  	[sflag:s17] =	ssyncadd.s32 $0xFFFFC000  }
0x32: {  	[spmem:s2] =	stream.indirect.scatter.add.f32 [tilespmem:s16], [sflag:$0x2], $0x80, s14, s15, $0xb8;
	[tilespmem:$0x18180] =	vst v63  }
0x33: {  	_ =	swait.ge [sflag:s13], $0x4000  }
0x34: {  	[sflag:s13] =	ssyncset.done $0x0  }
0x35: {  	[sflag:s13] =	ssyncadd.s32 $0xFFFFC000  }
0x36: {  	[tilespmem:s14], [sflag:$0x2] =	stream.linear.gather [hbm4b:s21+s3], $0x80, $0x38;
	[tilespmem:$0x18180] =	vst v63  }
0x37: {  	_ =	swait.ge [sflag:s13], $0x80  }
0x38: {  	[sflag:s13] =	ssyncset.done $0x0  }
0x39: {  	[sflag:s13] =	ssyncadd.s32 $0xFFFFFF80  }
0x3a: {  	[tilespmem:s3], [sflag:$0x2] =	stream.linear.gather [hbm4b:s20+s3], $0x80, $0x38;
	[tilespmem:$0x18180] =	vst v63  }
0x3b: {  	_ =	swait.ge [sflag:s13], $0x80  }
0x3c: {  	[sflag:s13] =	ssyncset.done $0x0  }
0x3d: {  	[sflag:s13] =	ssyncadd.s32 $0xFFFFFF80  }
0x3e: {  	v1 =	vld [tilespmem:$0x70]  }
0x3f: {  	v2 =	vld [tilespmem:$0x60]  }
0x40: {  	v3 =	vld [tilespmem:$0x50]  }
0x41: {  	v4 =	vld [tilespmem:$0x30]  }
0x42: {  	v5 =	vld [tilespmem:$0x20]  }
0x43: {  	v6 =	vld [tilespmem:$0x10];
	v1 =	vadd.s32 v0, v1  }
0x44: {  	v7 =	vld [tilespmem:$0x40];
	v2 =	vadd.s32 v0, v2;
	[tilespmem:$0xF0] =	vst v1  }
0x45: {  	v1 =	vld [tilespmem:$0x0];
	v3 =	vadd.s32 v0, v3;
	[tilespmem:$0xE0] =	vst v2  }
0x46: {  	v2 =	vadd.s32 v0, v4;
	[tilespmem:$0xD0] =	vst v3  }
.Ltmp1:
0x47: {  	v3 =	vadd.s32 v0, v5;
	[tilespmem:$0xB0] =	vst v2;
	(pc) =	sbr.rel @p0 .LBB2_2-.Ltmp1, $4  }
0x48: {  	v2 =	vadd.s32 v0, v6;
	[tilespmem:$0xA0] =	vst v3  }
0x49: {  	[tilespmem:$0x90] =	vst v2;
	v2 =	vadd.s32 v0, v7  }
0x4a: {  	v1 =	vadd.s32 v0, v1;
	[tilespmem:$0xC0] =	vst v2  }
0x4b: {  	s21 =	sadd.s32 $0x100, s21;
	s20 =	sadd.s32 $0x100, s20;
	[tilespmem:$0x80] =	vst v1  }
.LBB2_3:
0x4c: {  	[tilespmem:s16], [sflag:$0x1] =	stream.indirect.gather [hbm4b:s4+s15], $0x80, s15, s15, $0xb8;
	[tilespmem:$0x18180] =	vst v63  }
0x4d: {  	_ =	swait.ge [sflag:s17], $0x4000  }
0x4e: {  	[sflag:s17] =	ssyncset.done $0x0  }
0x4f: {  	[sflag:s17] =	ssyncadd.s32 $0xFFFFC000  }
0x50: {  	[spmem:s2] =	stream.indirect.scatter.add.f32 [tilespmem:s16], [sflag:$0x2], $0x80, s14, s15, $0xb8;
	[tilespmem:$0x18180] =	vst v63  }
0x51: {  	_ =	swait.ge [sflag:s13], $0x4000  }
0x52: {  	s18 =	sadd.s32 $0x1, s18;
	[sflag:s13] =	ssyncset.done $0x0  }
0x53: {  	p0 =	sne.s32 s18, s9;
	[sflag:s13] =	ssyncadd.s32 $0xFFFFC000  }
.Ltmp2:
0x54: {  	[bflag:$0x0] =	sbarrier.arrive $0xFFFF;
	(pc) =	sbr.rel @p0 .LBB2_1-.Ltmp2, $4  }
0x55: {  	[hbm:s8], [sflag:s7] =	dma.local [spmem:s12], $0x2800  }
0x56: {  	_ =	swait.ge [sflag:s13], $0x2800  }
0x57: {  	[sflag:s13] =	ssyncset.done $0x0  }
0x58: {  	[sflag:s13] =	ssyncadd.s32 $0xFFFFD800  }
0x59: {  	_ =	sfence.sel $0x180000  }
0x5a: {  	[bflag:$0x0] =	sbarrier.arrive $0xFFFF  }
0x5b: {  	p0 =	sne.s32 s0, $0x0;
	_ =	strace $0x9000004D  }
0x5c: {  	s0 =	sadd.s32 @!p0 $0x100000, s1;
	[bflag:$0x2] =	sbarrier.arrive $0xFFFF  }
0x5d: {  	[sflag:s0] =	ssyncadd.tile.s32 @!p0 $0x1;
	_ =	shalt  }
.Lfunc_end2:
_tile_overlayer_lowered:
.L_overlay_start_2:
0x5e: {  	(tag) =	ssettag $0x2  }
0x5f: {  	s0 =	rddreg [dreg:$0x0];
	s2 =	stileid.u32  }
0x60: {  	s1 =	rddreg [dreg:$0x1];
	p0 =	sne.s32 s2, $0x0  }
0x61: {  	s3 =	rddreg [dreg:$0x2];
	[bflag:$0x3] =	sbarrier.arrive $0xFFFF;
	s2 =	simm.s32 @!p0 $0x1C02  }
0x62: {  	[timem:s3], [sflag:s2] =	dma.local @!p0 [hbm:s0], s1  }
0x63: {  	s0 =	simm.s32 @!p0 $0x2  }
0x64: {  	_ =	swait.ge @!p0 [sflag:s0], s1  }
0x65: {  	s1 =	ssub.s32 @!p0 $0x0, s1;
	[sflag:s0] =	ssyncset.done @!p0 $0x0  }
0x66: {  	[sflag:s0] =	ssyncadd.s32 @!p0 s1  }
0x67: {  	[bflag:$0x3] =	sbarrier.arrive $0xFFFF  }
0x68: {  	_ =	shalt  }

// kernel: kernel.19.cloned.1.call-start
scs
__scs_entry_jumppad:
0x0: {  	(pc) =	sbr.rel $0x88, $3  }
0x1: {  	(tag) =	ssettag $0x0;
	lr =	simm.s32 $0x1  }
0x2: {  	[smem:$0x3F97] =	sst lr;
	_ =	strace $0xD0000000  }
0x3: {  	_ = 	snop  }
0x4: {  	_ = 	snop  }
0x5: {  	_ = 	snop  }
0x6: {  	_ = 	snop  }
0x7: {  	_ = 	snop  }
__scs_overlays_trampoline_lowered:
0x8: {  	[smem:$0x3FA6] =	sst s0  }
0x9: {  	[smem:$0x3FA7] =	sst s1  }
0xa: {  	[smem:$0x3FA8] =	sst s2  }
0xb: {  	[smem:$0x3FA9] =	sst s3  }
0xc: {  	[smem:$0x3FAA] =	sst s4  }
0xd: {  	[smem:$0x3FAB] =	sst s5  }
0xe: {  	[smem:$0x3FAC] =	sst s6  }
0xf: {  	[smem:$0x3FAD] =	sst s7  }
0x10: {  	[smem:$0x3FAE] =	sst s8  }
0x11: {  	[smem:$0x3FAF] =	sst s9;
	s0 =	simm.s32 @!p0 $0x0  }
0x12: {  	s1 =	sld [smem:$0x3F95];
	s0 =	simm.s32 @p0 $0x1  }
0x13: {  	[smem:$0x3FB0] =	sst s0;
	s0 =	simm.s32 @!p1 $0x0  }
0x14: {  	s2 =	sld [smem:$0x3F94];
	s0 =	simm.s32 @p1 $0x1  }
0x15: {  	[smem:$0x3FB1] =	sst s0;
	s0 =	simm.s32 @!p2 $0x0  }
0x16: {  	s3 =	sld [smem:$0x3FDB];
	s0 =	simm.s32 @p2 $0x1  }
0x17: {  	s4 =	simm.s32 $0x1BF5;
	[smem:$0x3FB3] =	sst s0  }
0x18: {  	s0 =	sld [smem:$0x3F96];
	_ =	swait.ge [sflag:s4], $0x0  }
0x19: {  	s7 =	sld [smem:$0x3F97]  }
0x1a: {  	s8 =	sadd.s32 $0xFFFFE003, lr  }
0x1b: {  	s9 =	sadd.s32 $0xFFFFFEF7, lr;
	s5 =	simm.s32 $0xFFFFFFFF;
	p2 =	slt.u32 s8, $0xFFFFF086  }
0x1c: {  	p1 =	slt.u32 s9, $0xF7A;
	s5 =	simm.s32 @!p2 $0x0  }
0x1d: {  	s5 =	simm.s32 @p1 $0x1;
	p0 =	seq.s32 s7, s2  }
0x1e: {  	s7 =	smul.u32 @!p0 $0xF7A, s2;
	p2 =	seq.s32 @!p0 s5, $0x0  }
0x1f: {  	s9 =	smul.u32 $0xF7A, s1;
	s8 =	simm.s32 @!p0 $0x1BF5;
	p2 =	por !p2, p0  }
0x20: {  	[sflag:s8] =	ssyncset.s32 @!p0 $0xFFFFF086;
	s6 =	sadd.s32 @!p0 s3, s7;
	s7 =	simm.s32 @!p0 $0x108  }
0x21: {  	s3 =	sadd.s32 s3, s9;
	s6 =	sadd.s32 @!p0 $0x88, s6;
	s7 =	simm.s32 @p2 $0x1082  }
0x22: {  	[simem:s7], [sflag:s8] =	dma.local @!p0 [hbm:s6], $0xF7A  }
0x23: {  	s9 =	sor.u32 $0xD0000000, s2;
	s6 =	simm.s32 $0x108;
	_ =	swait.ge @!p0 [sflag:s8], $0x0  }
0x24: {  	s3 =	sadd.s32 $0x88, s3;
	s6 =	simm.s32 @!p1 $0x1082;
	[sflag:s4] =	ssyncset.s32 $0xFFFFF086  }
0x25: {  	[simem:s6], [sflag:s4] =	dma.local [hbm:s3], $0xF7A  }
0x26: {  	[smem:$0x3F97] =	sst s1;
	(tag) =	ssettag s2;
	_ =	strace s9  }
0x27: {  	s1 =	sld [smem:$0x3FA7]  }
0x28: {  	s2 =	sld [smem:$0x3FA8]  }
0x29: {  	s4 =	sld [smem:$0x3FAA]  }
0x2a: {  	p0 =	seq.s32 s5, $0x0;
	s5 =	sld [smem:$0x3FAB]  }
0x2b: {  	s6 =	sld [smem:$0x3FAC]  }
0x2c: {  	s7 =	sld [smem:$0x3FAD]  }
0x2d: {  	s3 =	simm.s32 $0x108;
	s8 =	sld [smem:$0x3FAE]  }
0x2e: {  	s3 =	simm.s32 @!p0 $0x1082;
	s9 =	sld [smem:$0x3FAF]  }
0x2f: {  	lr =	sadd.s32 s0, s3;
	s0 =	sld [smem:$0x3FA6]  }
0x30: {  	s3 =	sld [smem:$0x3FA9]  }
0x31: {  	[smem:$0x3FB2] =	sst s10  }
0x32: {  	s10 =	sld [smem:$0x3FB0];
	_ =	sdelay $0x3  }
0x33: {  	p0 =	seq.s32 s10, $0x1;
	s10 =	sld [smem:$0x3FB2];
	_ =	sdelay $0x3  }
0x34: {  	[smem:$0x3FB2] =	sst s10  }
0x35: {  	s10 =	sld [smem:$0x3FB1];
	_ =	sdelay $0x3  }
0x36: {  	p1 =	seq.s32 s10, $0x1;
	s10 =	sld [smem:$0x3FB2];
	_ =	sdelay $0x3  }
0x37: {  	[smem:$0x3FB2] =	sst s10  }
0x38: {  	s10 =	sld [smem:$0x3FB3]  }
0x39: {  	_ = 	snop;
	(pc) =	sbr.ind lr, $3  }
0x3a: {  	_ = 	snop  }
0x3b: {  	_ = 	snop  }
0x3c: {  	p2 =	seq.s32 s10, $0x1;
	s10 =	sld [smem:$0x3FB2]  }
0x3d: {  	_ =	shalt  }
0x3e: {  	_ =	shalt  }
0x3f: {  	_ =	shalt  }
0x40: {  	_ =	shalt  }
0x41: {  	_ =	shalt  }
0x42: {  	_ =	shalt  }
0x43: {  	_ =	shalt  }
0x44: {  	_ =	shalt  }
0x45: {  	_ =	shalt  }
0x46: {  	_ =	shalt  }
0x47: {  	_ =	shalt  }
0x48: {  	_ =	shalt  }
0x49: {  	_ =	shalt  }
0x4a: {  	_ =	shalt  }
0x4b: {  	_ =	shalt  }
0x4c: {  	_ =	shalt  }
0x4d: {  	_ =	shalt  }
0x4e: {  	_ =	shalt  }
0x4f: {  	_ =	shalt  }
0x50: {  	_ =	shalt  }
0x51: {  	_ =	shalt  }
0x52: {  	_ =	shalt  }
0x53: {  	_ =	shalt  }
0x54: {  	_ =	shalt  }
0x55: {  	_ =	shalt  }
0x56: {  	_ =	shalt  }
0x57: {  	_ =	shalt  }
0x58: {  	_ =	shalt  }
0x59: {  	_ =	shalt  }
0x5a: {  	_ =	shalt  }
0x5b: {  	_ =	shalt  }
0x5c: {  	_ =	shalt  }
0x5d: {  	_ =	shalt  }
0x5e: {  	_ =	shalt  }
0x5f: {  	_ =	shalt  }
0x60: {  	_ =	shalt  }
0x61: {  	_ =	shalt  }
0x62: {  	_ =	shalt  }
0x63: {  	_ =	shalt  }
0x64: {  	_ =	shalt  }
0x65: {  	_ =	shalt  }
0x66: {  	_ =	shalt  }
0x67: {  	_ =	shalt  }
0x68: {  	_ =	shalt  }
0x69: {  	_ =	shalt  }
0x6a: {  	_ =	shalt  }
0x6b: {  	_ =	shalt  }
0x6c: {  	_ =	shalt  }
0x6d: {  	_ =	shalt  }
0x6e: {  	_ =	shalt  }
0x6f: {  	_ =	shalt  }
0x70: {  	_ =	shalt  }
0x71: {  	_ =	shalt  }
0x72: {  	_ =	shalt  }
0x73: {  	_ =	shalt  }
0x74: {  	_ =	shalt  }
0x75: {  	_ =	shalt  }
0x76: {  	_ =	shalt  }
0x77: {  	_ =	shalt  }
0x78: {  	_ =	shalt  }
0x79: {  	_ =	shalt  }
0x7a: {  	_ =	shalt  }
0x7b: {  	_ =	shalt  }
0x7c: {  	_ =	shalt  }
0x7d: {  	_ =	shalt  }
0x7e: {  	_ =	shalt  }
0x7f: {  	_ =	shalt  }
0x80: {  	_ =	shalt  }
0x81: {  	_ =	shalt  }
0x82: {  	_ =	shalt  }
0x83: {  	_ =	shalt  }
0x84: {  	_ =	shalt  }
0x85: {  	_ =	shalt  }
0x86: {  	_ =	shalt  }
0x87: {  	_ =	shalt  }
.Lfunc_end0:
.L_simem_size_0:
called_computation.3_lowered:
.L_overlay_start_0:
0x88: {  	s2 =	sld [smem:$0x3FD9]  }
0x89: {  	s3 =	sld [smem:$0x3FFE];
	_ =	sdelay $0x1  }
0x8a: {  	s1 =	srdreg.scid  }
0x8b: {  	s0 =	sand.u32 $0x1, s1  }
0x8c: {  	s14 =	sshll.u32 s0, $0xA;
	s2 =	sadd.s32 s3, s2  }
0x8d: {  	s2 =	sadd.s32 s2, s14  }
0x8e: {  	[smem:$0x3FBE] =	sst s2  }
0x8f: {  	_ = 	snop  }
0x90: {  	s2 =	sld [smem:$0x3FD0];
	_ =	sdelay $0x2  }
0x91: {  	s15 =	simm.s32 $0xA;
	s4 =	simm.s32 $0x10  }
0x92: {  	[smem:s4], [sflag:s15] =	dma.local [hbm:s2], $0x1  }
0x93: {  	_ =	swait.eq [sflag:s15], $0x1  }
0x94: {  	[sflag:s15] =	ssyncset.done $0x0  }
0x95: {  	s16 =	sld [smem:$0x10];
	[sflag:s15] =	ssyncadd.s32 $0xFFFFFFFF  }
0x96: {  	s17 =	sld [smem:$0x11];
	(tm) =	ssettm $0x1  }
0x97: {  	s18 =	sld [smem:$0x3FFB];
	_ =	sdelay $0x3  }
0x98: {  	_ =	strace s18  }
0x99: {  	s4 =	sld [smem:$0x3FFC];
	_ =	sdelay $0x3  }
0x9a: {  	_ =	strace s4  }
0x9b: {  	s4 =	sld [smem:$0x3FFD];
	_ =	sdelay $0x3  }
0x9c: {  	_ =	strace s4  }
0x9d: {  	_ =	strace $0x8FFFFFFF  }
0x9e: {  	s19 =	sld [smem:$0x3FDB];
	_ =	sdelay $0x1  }
0x9f: {  	s5 =	simm.s32 $_scs_section_size  }
0xa0: {  	s6 =	simm.s32 $_size__tile_overlayer_lowered;
	s7 =	simm.s32 $_tile_overlayer_lowered  }
0xa1: {  	s22 =	simm.s32 $0x1BFF;
	s21 =	sshll.u32 s7, $0x1;
	s4 =	sadd.s32 s5, s19  }
0xa2: {  	s8 =	simm.s32 $0x0;
	s20 =	sshll.u32 s6, $0x1;
	s6 =	sadd.s32 s21, s4  }
0xa3: {  	[timem:s8], [sflag:s22] =	dma.local [hbm:s6], s20  }
0xa4: {  	_ =	swait.ge [sflag:s22], s20  }
0xa5: {  	s5 =	ssub.s32 $0x0, s20;
	[sflag:s22] =	ssyncset.done $0x0  }
0xa6: {  	[sflag:s22] =	ssyncadd.s32 s5;
	_ =	sdelay $0x1  }
0xa7: {  	s23 =	simm.s32 $0x1B8B  }
0xa8: {  	_ =	swait.ge [sflag:s23], $0x1  }
0xa9: {  	[sflag:s23] =	ssyncset.done $0x0  }
0xaa: {  	s25 =	simm.s32 $0x1B8E;
	s24 =	sld [smem:$0x3FFE];
	[sflag:s23] =	ssyncadd.s32 $0xFFFFFFFF  }
0xab: {  	s26 =	simm.s32 $execute0_lowered;
	[smem:$0x3FD2] =	sst s25  }
0xac: {  	s6 =	sshll.u32 s26, $0x1;
	_ =	strace $0x8000004F;
	[dreg:$0x1] =	wrdreg $0xFFFFFFFF  }
0xad: {  	s28 =	simm.s32 $_size_execute0_lowered;
	s4 =	sadd.s32 s4, s6;
	[dreg:$0x0] =	wrdreg $0x0  }
0xae: {  	s6 =	sshll.u32 s28, $0x1;
	[dreg:$0x2] =	wrdreg s4  }
0xaf: {  	[dreg:$0x3] =	wrdreg s6  }
0xb0: {  	[dreg:$0x4] =	wrdreg $0xC0  }
0xb1: {  	_ =	task [dreg:s8], $0x5FFFF  }
0xb2: {  	[dreg:$0x1] =	wrdreg $0xFFFFFFFF  }
0xb3: {  	[dreg:$0x0] =	wrdreg $0x60  }
0xb4: {  	[dreg:$0x2] =	wrdreg s24  }
0xb5: {  	[dreg:$0x3] =	wrdreg s16  }
0xb6: {  	[dreg:$0x4] =	wrdreg s17  }
0xb7: {  	[dreg:$0x5] =	wrdreg $0x41000  }
0xb8: {  	[dreg:$0x6] =	wrdreg $0x9  }
0xb9: {  	_ =	task.clear_ibuf [dreg:s8], $0x7FFFF;
	_ =	strace $0x9000004F  }
0xba: {  	s29 =	simm.s32 $0x9;
	_ =	strace $0x80000051  }
0xbb: {  	_ =	swait.ge [sflag:s29], $0x1  }
0xbc: {  	[sflag:s29] =	ssyncadd.s32 $0xFFFFFFFF  }
0xbd: {  	_ =	strace $0x90000051  }
0xbe: {  	_ =	sfence  }
0xbf: {  	s30 =	sld [smem:$0x0];
	_ =	sdelay $0x2  }
0xc0: {  	s31 =	sshll.u32 s1, $0xD;
	s1 =	sshrl.u32 s1, $0x2  }
0xc1: {  	s3 =	sand.u32 $0x4000, s31;
	s1 =	sadd.s32 s1, s30  }
0xc2: {  	s0 =	sor.u32 s3, s0;
	s1 =	sshll.u32 s1, $0x11  }
0xc3: {  	s0 =	sor.u32 s1, s0  }
0xc4: {  	s0 =	sadd.s32 $0x8F2B, s0  }
0xc5: {  	[sflag:s0] =	ssyncadd.remote.s32 $0x1  }
0xc6: {  	_ =	sfence.sel $0xFFFF  }
0xc7: {  	[dreg:$0x0] =	wrdreg $0xFFFFFFFF;
	(pc) =	sbr.abs _section_cstart, $3  }
0xc8: {  	[dreg:$0x1] =	wrdreg $0xFFFFFFFF  }
0xc9: {  	_ =	task.clear_ibuf [dreg:s8], $0x2FFFF;
	_ =	strace $0x9FFFFFFF  }
0xca: {  	(tm) =	ssettm $0x7FFFFFFF  }
0xcb: {  	_ =	shalt  }
tec
execute0_lowered:
.L_overlay_start_1:
0x0: {  	(tag) =	ssettag $0x1  }
0x1: {  	s5 =	rddreg [dreg:$0x0]  }
0x2: {  	s10 =	rddreg [dreg:$0x1]  }
0x3: {  	s11 =	rddreg [dreg:$0x2]  }
0x4: {  	s2 =	rddreg [dreg:$0x3]  }
0x5: {  	s0 =	srdreg.scid;
	s1 =	rddreg [dreg:$0x4];
	s3 =	simm.s32 $0x0  }
0x6: {  	s16 =	simm.s32 $0x1;
	s7 =	sand.u32 $0x1, s0;
	s0 =	stileid.u32  }
0x7: {  	s17 =	simm.s32 $0x0;
	[smem:$0x7FF] =	sst s3;
	s4 =	smul.u32 $0x140000, s7  }
0x8: {  	s8 =	sadd.s32 $0x4000, s5;
	s6 =	smul.u32 $0x14000, s0;
	_ =	strace $0x80000050  }
0x9: {  	s25 =	ssub.s32 $0x2, s7;
	s12 =	sshll.u32 s7, $0x4;
	s13 =	smul.u32 $0x50000, s0  }
0xa: {  	p0 =	seq.s32 s7, $0x0;
	s29 =	smul.u32 $0x2800, s0;
	s14 =	sshll.u32 s7, $0xB  }
0xb: {  	s15 =	sshll.u32 s0, $0x7;
	s31 =	sshll.u32 s0, $0x6;
	s9 =	sshrl.u32 s25, $0x1  }
0xc: {  	s26 =	sor.u32 s0, s12;
	s30 =	sor.u32 s15, s14;
	s15 =	simm.s32 $0x100  }
0xd: {  	s6 =	sadd.s32 s6, s4;
	s4 =	sadd.s32 $0x7C000, s5;
	s9 =	ssub.s32 s25, s9  }
0xe: {  	s28 =	sshrl.u32 s13, $0x2;
	p1 =	slt.u32 s26, $0x4;
	s14 =	sshrl.u32 s30, $0x3  }
0xf: {  	s13 =	simm.s32 $0x2;
	s6 =	sshrl.u32 s6, $0x3;
	s12 =	sadd.s32 s28, s2  }
0x10: {  	s7 =	smax.u32 s9, $0x1;
	s8 =	smov.u32 @p0 s4;
	s9 =	sor.u32 $0x1C02, s31  }
0x11: {  	s10 =	sadd.s32 s14, s10;
	s11 =	sadd.s32 s14, s11;
	s14 =	simm.s32 $0x80  }
0x12: {  	s6 =	sadd.s32 s6, s5;
	s5 =	simm.s32 $0x4F;
	s8 =	sadd.s32 s8, s29  }
0x13: {  	s12 =	sshrl.u32 s12, $0x3;
	s5 =	simm.s32 @!p1 $0x4E;
	s6 =	sadd.s32 $0xA4000, s6  }
.LBB2_1:
0x14: {  	[spmem:s12], [sflag:s9] =	dma.local [hbm:s8], $0x2800  }
0x15: {  	_ =	swait.ge [sflag:s13], $0x2800  }
0x16: {  	[sflag:s13] =	ssyncset.done $0x0  }
0x17: {  	[sflag:s13] =	ssyncadd.s32 $0xFFFFD800  }
0x18: {  	[bflag:$0x0] =	sbarrier.arrive $0xFFFF  }
0x19: {  	[tilespmem:s14], [sflag:$0x2] =	stream.linear.gather [hbm4b:s11+s3], $0x80, $0x38;
	[tilespmem:$0x18100] =	vst v63  }
0x1a: {  	_ =	swait.ge [sflag:s13], $0x80  }
0x1b: {  	[sflag:s13] =	ssyncset.done $0x0  }
0x1c: {  	[sflag:s13] =	ssyncadd.s32 $0xFFFFFF80  }
0x1d: {  	[tilespmem:s3], [sflag:$0x2] =	stream.linear.gather [hbm4b:s10+s3], $0x80, $0x38;
	[tilespmem:$0x18100] =	vst v63  }
0x1e: {  	_ =	swait.ge [sflag:s13], $0x80  }
0x1f: {  	[sflag:s13] =	ssyncset.done $0x0  }
0x20: {  	[sflag:s13] =	ssyncadd.s32 $0xFFFFFF80  }
0x21: {  	[tilespmem:s15], [sflag:$0x1] =	stream.indirect.gather [hbm4b:s4+s14], $0x80, s3, s14, $0xb8;
	[tilespmem:$0x18100] =	vst v63  }
0x22: {  	p0 =	sne.s32 s5, $0x1;
	_ =	swait.ge [sflag:s16], $0x4000  }
.Ltmp0:
0x23: {  	[sflag:s16] =	ssyncset.done $0x0;
	(pc) =	sbr.rel @!p0 .LBB2_3-.Ltmp0, $4  }
0x24: {  	[sflag:s16] =	ssyncadd.s32 $0xFFFFC000  }
0x25: {  	[spmem:s2] =	stream.indirect.scatter.add.f32 [tilespmem:s15], [sflag:$0x2], $0x80, s14, s14, $0xb8;
	[tilespmem:$0x18100] =	vst v63  }
0x26: {  	s18 =	sadd.s32 $0xFFFFFFFF, s5;
	_ =	swait.ge [sflag:s13], $0x4000  }
0x27: {  	s19 =	smov.u32 s10;
	s20 =	smov.u32 s11;
	[sflag:s13] =	ssyncset.done $0x0  }
.LBB2_2:
0x28: {  	[sflag:s13] =	ssyncadd.s32 $0xFFFFC000;
	s19 =	sadd.s32 $0x200, s19;
	s20 =	sadd.s32 $0x200, s20  }
0x29: {  	[tilespmem:s14], [sflag:$0x2] =	stream.linear.gather [hbm4b:s20+s3], $0x80, $0x38;
	[tilespmem:$0x18100] =	vst v63  }
0x2a: {  	p0 =	sne.s32 s18, $0x1;
	s18 =	sadd.s32 $0xFFFFFFFF, s18;
	_ =	swait.ge [sflag:s13], $0x80  }
0x2b: {  	[sflag:s13] =	ssyncset.done $0x0  }
0x2c: {  	[sflag:s13] =	ssyncadd.s32 $0xFFFFFF80  }
0x2d: {  	[tilespmem:s3], [sflag:$0x2] =	stream.linear.gather [hbm4b:s19+s3], $0x80, $0x38;
	[tilespmem:$0x18100] =	vst v63  }
0x2e: {  	_ =	swait.ge [sflag:s13], $0x80  }
0x2f: {  	[sflag:s13] =	ssyncset.done $0x0  }
0x30: {  	[sflag:s13] =	ssyncadd.s32 $0xFFFFFF80  }
0x31: {  	[tilespmem:s15], [sflag:$0x1] =	stream.indirect.gather [hbm4b:s4+s14], $0x80, s3, s14, $0xb8;
	[tilespmem:$0x18100] =	vst v63  }
0x32: {  	_ =	swait.ge [sflag:s16], $0x4000  }
.Ltmp1:
0x33: {  	[sflag:s16] =	ssyncset.done $0x0;
	(pc) =	sbr.rel @p0 .LBB2_2-.Ltmp1, $4  }
0x34: {  	[sflag:s16] =	ssyncadd.s32 $0xFFFFC000  }
0x35: {  	[spmem:s2] =	stream.indirect.scatter.add.f32 [tilespmem:s15], [sflag:$0x2], $0x80, s14, s14, $0xb8;
	[tilespmem:$0x18100] =	vst v63  }
0x36: {  	_ =	swait.ge [sflag:s13], $0x4000  }
0x37: {  	[sflag:s13] =	ssyncset.done $0x0  }
.LBB2_3:
0x38: {  	s17 =	sadd.s32 $0x1, s17  }
0x39: {  	[sflag:s13] =	ssyncadd.s32 $0xFFFFC000;
	p0 =	sne.s32 s17, s7  }
.Ltmp2:
0x3a: {  	[bflag:$0x0] =	sbarrier.arrive $0xFFFF;
	(pc) =	sbr.rel @p0 .LBB2_1-.Ltmp2, $4  }
0x3b: {  	[hbm:s6], [sflag:s9] =	dma.local [spmem:s12], $0x2800  }
0x3c: {  	_ =	swait.ge [sflag:s13], $0x2800  }
0x3d: {  	[sflag:s13] =	ssyncset.done $0x0  }
0x3e: {  	[sflag:s13] =	ssyncadd.s32 $0xFFFFD800  }
0x3f: {  	_ =	sfence.sel $0x180000  }
0x40: {  	[bflag:$0x0] =	sbarrier.arrive $0xFFFF  }
0x41: {  	p0 =	sne.s32 s0, $0x0;
	_ =	strace $0x90000050  }
0x42: {  	s0 =	sadd.s32 @!p0 $0x100000, s1;
	[bflag:$0x2] =	sbarrier.arrive $0xFFFF  }
0x43: {  	[sflag:s0] =	ssyncadd.tile.s32 @!p0 $0x1;
	_ =	shalt  }
.Lfunc_end2:
_tile_overlayer_lowered:
.L_overlay_start_2:
0x44: {  	(tag) =	ssettag $0x2  }
0x45: {  	s0 =	rddreg [dreg:$0x0];
	s2 =	stileid.u32  }
0x46: {  	s1 =	rddreg [dreg:$0x1];
	p0 =	sne.s32 s2, $0x0  }
0x47: {  	s3 =	rddreg [dreg:$0x2];
	[bflag:$0x3] =	sbarrier.arrive $0xFFFF;
	s2 =	simm.s32 @!p0 $0x1C02  }
0x48: {  	[timem:s3], [sflag:s2] =	dma.local @!p0 [hbm:s0], s1  }
0x49: {  	s0 =	simm.s32 @!p0 $0x2  }
0x4a: {  	_ =	swait.ge @!p0 [sflag:s0], s1  }
0x4b: {  	s1 =	ssub.s32 @!p0 $0x0, s1;
	[sflag:s0] =	ssyncset.done @!p0 $0x0  }
0x4c: {  	[sflag:s0] =	ssyncadd.s32 @!p0 s1  }
0x4d: {  	[bflag:$0x3] =	sbarrier.arrive $0xFFFF  }
0x4e: {  	_ =	shalt  }

</sc_bundles>
